<compile_context>
chip_gen: v7x
topology: tpu7x:2x2x1
jax: 0.10.2.dev20260603
libtpu: 0.0.44.dev20260713+nightly
codegen_flags: <defaults>
</compile_context>

<pallas_src>
import functools

import jax
import jax.numpy as jnp
from jax import lax
from jax.experimental import pallas as pl
from jax.experimental.pallas import tpu as pltpu
from jax.experimental.pallas import tpu_sc as plsc

N = 10000
E = 320000
D = 128
EPS = 1e-5

NC = 2
NS = 16
NW = NC * NS
CHUNK = 80
EPW = E // NW
NCH = EPW // CHUNK
RPS = N // NS
NPAD = 640 * NS
DW = 16

_mesh = plsc.VectorSubcoreMesh(core_axis_name="c", subcore_axis_name="s")



@functools.partial(
    pl.kernel,
    out_type=jax.ShapeDtypeStruct((NC, NPAD, D), jnp.float32),
    mesh=_mesh,
    scratch_types=[
        pltpu.VMEM((NCH, CHUNK), jnp.int32),
        pltpu.VMEM((NCH, CHUNK), jnp.int32),
        pltpu.VMEM((CHUNK, D), jnp.float32),
        pltpu.VMEM_SHARED((NPAD, D), jnp.float32),
        pltpu.SemaphoreType.DMA,
    ],
)
def _seg_sum(h_hbm, src_hbm, dst_hbm, zeros_hbm, out_hbm,
             src_v, dst_v, rows_v, acc, sem):
    cid = lax.axis_index("c")
    sid = lax.axis_index("s")
    wid = sid * NC + cid

    pltpu.sync_copy(zeros_hbm, acc.at[pl.ds(sid * 640, 640)])
    pltpu.sync_copy(src_hbm.at[wid], src_v)
    pltpu.sync_copy(dst_hbm.at[wid], dst_v)
    plsc.subcore_barrier()

    def body(i, carry):
        pltpu.async_copy(h_hbm.at[src_v.at[i]], rows_v, sem).wait()
        pltpu.sync_copy(rows_v, acc.at[dst_v.at[i]], add=True)
        return carry

    lax.fori_loop(0, NCH, body, 0)
    plsc.subcore_barrier()
    pltpu.sync_copy(acc.at[pl.ds(sid * 640, 640)],
                    out_hbm.at[cid, pl.ds(sid * 640, 640)])


@functools.partial(
    pl.kernel,
    out_type=jax.ShapeDtypeStruct((NC, NPAD, D), jnp.float32),
    mesh=_mesh,
    scratch_types=[
        pltpu.VMEM((NCH, CHUNK), jnp.int32),
        pltpu.VMEM((CHUNK, D), jnp.float32),
        pltpu.VMEM_SHARED((NPAD, D), jnp.float32),
        pltpu.SemaphoreType.DMA,
    ],
)
def _deg_sum(dst_hbm, zeros_hbm, ones_hbm, out_hbm, dst_v, ones_v, acc, sem):
    cid = lax.axis_index("c")
    sid = lax.axis_index("s")
    wid = sid * NC + cid

    pltpu.sync_copy(zeros_hbm, acc.at[pl.ds(sid * 640, 640)])
    pltpu.sync_copy(ones_hbm, ones_v)
    pltpu.sync_copy(dst_hbm.at[wid], dst_v)
    plsc.subcore_barrier()

    def body(i, carry):
        pltpu.sync_copy(ones_v, acc.at[dst_v.at[i]], add=True)
        return carry

    lax.fori_loop(0, NCH, body, 0)
    plsc.subcore_barrier()
    pltpu.sync_copy(acc.at[pl.ds(sid * 640, 640)],
                    out_hbm.at[cid, pl.ds(sid * 640, 640)])



def _inv_deg_body(degp_ref, out_ref):
    deg = degp_ref[0, 0:N] + degp_ref[1, 0:N]
    out_ref[...] = 1.0 / jnp.maximum(deg, 1.0)


def _layer_body(p_ref, invd_ref, h_ref, wl_ref, bl_ref, wr_ref, g_ref, b_ref,
                out_ref):
    agg = (p_ref[0, 0:N] + p_ref[1, 0:N]) * invd_ref[...]
    dn = (((1,), (1,)), ((), ()))
    h = (lax.dot_general(agg, wl_ref[...], dn, preferred_element_type=jnp.float32)
         + bl_ref[...]
         + lax.dot_general(h_ref[...], wr_ref[...], dn,
                           preferred_element_type=jnp.float32))
    mean = jnp.mean(h, axis=0, keepdims=True)
    var = jnp.mean((h - mean) ** 2, axis=0, keepdims=True)
    h = (h - mean) / jnp.sqrt(var + EPS) * g_ref[...] + b_ref[...]
    out_ref[...] = jnp.maximum(h, 0.0)


def _readout_body(x_ref, h1_ref, h2_ref, h3_ref, w1_ref, b1_ref, w2_ref,
                  b2_ref, w3_ref, b3_ref, out_ref):
    node = x_ref[...] + h1_ref[...] + h2_ref[...] + h3_ref[...]
    hg = jnp.sum(node, axis=0, keepdims=True)
    dn = (((1,), (1,)), ((), ()))
    t = lax.dot_general(hg, w1_ref[...], dn, preferred_element_type=jnp.float32)
    t = jnp.maximum(t + b1_ref[...], 0.0)
    t = lax.dot_general(t, w2_ref[...], dn, preferred_element_type=jnp.float32)
    t = jnp.maximum(t + b2_ref[...], 0.0)
    s = jnp.sum(t * w3_ref[...], axis=1, keepdims=True)
    out_ref[...] = s + b3_ref[...]


def _inv_deg_call(degp):
    return pl.pallas_call(
        _inv_deg_body,
        out_shape=jax.ShapeDtypeStruct((N, D), jnp.float32),
    )(degp)


def _layer_call(p, invd, h, wl, blv, wr, g, b):
    return pl.pallas_call(
        _layer_body,
        out_shape=jax.ShapeDtypeStruct((N, D), jnp.float32),
    )(p, invd, h, wl, blv, wr, g, b)


def _readout_call(x, h1, h2, h3, w1, b1v, w2, b2v, w3, b3v):
    return pl.pallas_call(
        _readout_body,
        out_shape=jax.ShapeDtypeStruct((1, 1), jnp.float32),
    )(x, h1, h2, h3, w1, b1v, w2, b2v, w3, b3v)



def kernel(x, edge_index, Wl, bl, Wr, bn_g, bn_b, W1, b1, W2, b2, W3, b3):
    src = edge_index[0].reshape(NW, NCH, CHUNK)
    dst = edge_index[1].reshape(NW, NCH, CHUNK)
    zeros_d = jnp.zeros((640, D), jnp.float32)
    ones_w = jnp.ones((CHUNK, D), jnp.float32)

    degp = _deg_sum(dst, zeros_d, ones_w)
    invd = _inv_deg_call(degp)

    h = x
    hs = [x]
    for l in range(3):
        p = _seg_sum(h, src, dst, zeros_d)
        h = _layer_call(p, invd, h, Wl[l], bl[l][None], Wr[l],
                        bn_g[l][None], bn_b[l][None])
        hs.append(h)

    return _readout_call(x, hs[1], hs[2], hs[3], W1, b1[None], W2,
                         b2[None], W3, b3[None])

# --- scband reference (transcript-rebuilt; emitter-appended) ---
"""Pipeline reference for scband-gnn-8667244003433 (READ-ONLY COPY).

The authoritative reference and input builder live on the scoring server;
editing this copy changes nothing except your own understanding.
"""

import jax, jax.numpy as jnp
import numpy as np

N_NODES = 10000
N_EDGES = 320000
EMB = 128
NUM_LAYER = 4
NUM_TASKS = 1
EPS = 1e-5


def setup_inputs(seed: int = 0) -> dict:
    key = jax.random.key(seed)
    ks = jax.random.split(key, 8)
    s = 0.05
    x = jax.random.normal(ks[0], (N_NODES, EMB), dtype=jnp.float32)
    edge_index = jax.random.randint(ks[1], (2, N_EDGES), 0, N_NODES, dtype=jnp.int32)
    Wl = jax.random.normal(ks[2], (NUM_LAYER, EMB, EMB), dtype=jnp.float32) * s
    bl = jnp.zeros((NUM_LAYER, EMB), dtype=jnp.float32)
    Wr = jax.random.normal(ks[3], (NUM_LAYER, EMB, EMB), dtype=jnp.float32) * s
    bn_g = jnp.ones((NUM_LAYER, EMB), dtype=jnp.float32)
    bn_b = jnp.zeros((NUM_LAYER, EMB), dtype=jnp.float32)
    W1 = jax.random.normal(ks[4], (2 * EMB, EMB), dtype=jnp.float32) * s
    b1 = jnp.zeros((2 * EMB,), dtype=jnp.float32)
    W2 = jax.random.normal(ks[5], (EMB, 2 * EMB), dtype=jnp.float32) * s
    b2 = jnp.zeros((EMB,), dtype=jnp.float32)
    W3 = jax.random.normal(ks[6], (NUM_TASKS, EMB), dtype=jnp.float32) * s
    b3 = jnp.zeros((NUM_TASKS,), dtype=jnp.float32)
    return {"x": x, "edge_index": edge_index, "Wl": Wl, "bl": bl, "Wr": Wr,
            "bn_g": bn_g, "bn_b": bn_b, "W1": W1, "b1": b1, "W2": W2,
            "b2": b2, "W3": W3, "b3": b3}


def reference(x, edge_index, Wl, bl, Wr, bn_g, bn_b, W1, b1, W2, b2, W3, b3):
    N = x.shape[0]
    src = edge_index[0]
    dst = edge_index[1]
    deg = jax.ops.segment_sum(jnp.ones((src.shape[0],), dtype=x.dtype), dst, num_segments=N)
    deg = jnp.clip(deg, 1.0)[:, None]
    h_list = [x]
    for layer in range(NUM_LAYER):
        h_in = h_list[layer]
        # SAGEConv (mean aggregation): lin_l(mean_j x_j) + lin_r(x_i)
        agg = jax.ops.segment_sum(h_in[src], dst, num_segments=N) / deg
        h = agg @ Wl[layer].T + bl[layer] + h_in @ Wr[layer].T
        # BatchNorm1d (training-style batch statistics, biased var)
        mean = jnp.mean(h, axis=0)
        var = jnp.mean((h - mean) ** 2, axis=0)
        h = (h - mean) / jnp.sqrt(var + EPS) * bn_g[layer] + bn_b[layer]
        # dropout with drop_ratio=0.0 is identity
        if layer < NUM_LAYER - 1:
            h = jax.nn.relu(h)
        h_list.append(h)
    # JK='sum' over h_list[0..num_layer-1] (as written in the torch code)
    node_rep = h_list[0]
    for layer in range(1, NUM_LAYER):
        node_rep = node_rep + h_list[layer]
    # global_add_pool with batch=None -> sum over all nodes, single graph
    h_graph = jnp.sum(node_rep, axis=0, keepdims=True)
    h_graph = jax.nn.relu(h_graph @ W1.T + b1)
    h_graph = jax.nn.relu(h_graph @ W2.T + b2)
    out = h_graph @ W3.T + b3
    return out

if __name__ == "__main__":
    import jax
    _d = setup_inputs()
    print(jax.jit(kernel)(*tuple(_d.values())))

</pallas_src>

<mosaic_0001>
#map = affine_map<(d0, d1) -> (0, 0)>
#map1 = affine_map<(d0, d1) -> (0, 0, 0)>
module attributes {stable_mosaic.version = 14 : i64} {
  func.func @_seg_sum(%arg0: i32, %arg1: i32, %arg2: memref<10000x128xf32, #tpu.memory_space<hbm>>, %arg3: memref<32x125x80xi32, #tpu.memory_space<hbm>>, %arg4: memref<32x125x80xi32, #tpu.memory_space<hbm>>, %arg5: memref<640x128xf32, #tpu.memory_space<hbm>>, %arg6: memref<2x10240x128xf32, #tpu.memory_space<hbm>>, %arg7: memref<125x80xi32, #tpu.memory_space<vmem>>, %arg8: memref<125x80xi32, #tpu.memory_space<vmem>>, %arg9: memref<80x128xf32, #tpu.memory_space<vmem>>, %arg10: memref<10240x128xf32, #tpu.memory_space<vmem_shared>>, %arg11: memref<!tpu.dma_semaphore, #tpu.memory_space<semaphore_mem>>) attributes {dimension_semantics = [#tpu.dimension_semantics<core_parallel>, #tpu.dimension_semantics<subcore_parallel>], iteration_bounds = array<i64: 2, 16>, scalar_prefetch = 0 : i64, scratch_operands = 5 : i64, tpu.core_type = #tpu.core_type<sc_vector_subcore>, window_params = [{transform_indices = #map}, {transform_indices = #map1}, {transform_indices = #map1}, {transform_indices = #map}, {transform_indices = #map1}]} {
    %mul3A = arith.constant 2 : i32
    %mul3A_0 = arith.muli %arg1, %mul3A : i32
    %add3A = arith.addi %mul3A_0, %arg0 : i32
    %mul3A_1 = arith.constant 640 : i32
    %mul3A_2 = arith.muli %arg1, %mul3A_1 : i32
    "tpu.region"() ({
      %run_scoped3A = tpu.sem_alloc : memref<!tpu.dma_semaphore, #tpu.memory_space<semaphore_mem>>
      %dma_start3A = arith.constant 0 : i32
      %dma_start3A_13 = tpu.memref_slice %arg10[%mul3A_2, %dma_start3A] : memref<10240x128xf32, #tpu.memory_space<vmem_shared>> -> memref<640x128xf32, #tpu.memory_space<vmem_shared>>
      tpu.enqueue_dma source(%arg5 : memref<640x128xf32, #tpu.memory_space<hbm>>) target(%dma_start3A_13 : memref<640x128xf32, #tpu.memory_space<vmem_shared>>) target_semaphore(%run_scoped3A : memref<!tpu.dma_semaphore, #tpu.memory_space<semaphore_mem>>)
      %dma_wait3A = arith.constant 0 : i32
      %dma_wait3A_14 = tpu.memref_slice %arg10[%mul3A_2, %dma_wait3A] : memref<10240x128xf32, #tpu.memory_space<vmem_shared>> -> memref<640x128xf32, #tpu.memory_space<vmem_shared>>
      tpu.wait_dma2 semaphore(%run_scoped3A : memref<!tpu.dma_semaphore, #tpu.memory_space<semaphore_mem>>) src(%arg5 : memref<640x128xf32, #tpu.memory_space<hbm>>) dst(%dma_wait3A_14 : memref<640x128xf32, #tpu.memory_space<vmem_shared>>)
      tpu.yield
    }) : () -> ()
    "tpu.region"() ({
      %run_scoped3A = tpu.sem_alloc : memref<!tpu.dma_semaphore, #tpu.memory_space<semaphore_mem>>
      %dma_start3A = arith.constant 0 : i32
      %dma_start3A_13 = arith.constant 0 : i32
      %dma_start3A_14 = tpu.memref_slice %arg3[%add3A, %dma_start3A, %dma_start3A_13] : memref<32x125x80xi32, #tpu.memory_space<hbm>> -> memref<1x125x80xi32, #tpu.memory_space<hbm>>
      %dma_start3A_15 = tpu.memref_squeeze %dma_start3A_14 : memref<1x125x80xi32, #tpu.memory_space<hbm>> -> memref<125x80xi32, #tpu.memory_space<hbm>>
      %dma_start3A_16 = arith.constant 0 : i32
      %dma_start3A_17 = arith.constant 0 : i32
      %dma_start3A_18 = tpu.memref_slice %arg3[%add3A, %dma_start3A_16, %dma_start3A_17] : memref<32x125x80xi32, #tpu.memory_space<hbm>> -> memref<1x125x80xi32, #tpu.memory_space<hbm>>
      %dma_start3A_19 = tpu.memref_squeeze %dma_start3A_18 : memref<1x125x80xi32, #tpu.memory_space<hbm>> -> memref<125x80xi32, #tpu.memory_space<hbm>>
      tpu.enqueue_dma source(%dma_start3A_19 : memref<125x80xi32, #tpu.memory_space<hbm>>) target(%arg7 : memref<125x80xi32, #tpu.memory_space<vmem>>) target_semaphore(%run_scoped3A : memref<!tpu.dma_semaphore, #tpu.memory_space<semaphore_mem>>)
      %dma_wait3A = arith.constant 0 : i32
      %dma_wait3A_20 = arith.constant 0 : i32
      %dma_wait3A_21 = tpu.memref_slice %arg3[%add3A, %dma_wait3A, %dma_wait3A_20] : memref<32x125x80xi32, #tpu.memory_space<hbm>> -> memref<1x125x80xi32, #tpu.memory_space<hbm>>
      %dma_wait3A_22 = tpu.memref_squeeze %dma_wait3A_21 : memref<1x125x80xi32, #tpu.memory_space<hbm>> -> memref<125x80xi32, #tpu.memory_space<hbm>>
      %dma_wait3A_23 = arith.constant 0 : i32
      %dma_wait3A_24 = arith.constant 0 : i32
      %dma_wait3A_25 = tpu.memref_slice %arg3[%add3A, %dma_wait3A_23, %dma_wait3A_24] : memref<32x125x80xi32, #tpu.memory_space<hbm>> -> memref<1x125x80xi32, #tpu.memory_space<hbm>>
      %dma_wait3A_26 = tpu.memref_squeeze %dma_wait3A_25 : memref<1x125x80xi32, #tpu.memory_space<hbm>> -> memref<125x80xi32, #tpu.memory_space<hbm>>
      tpu.wait_dma2 semaphore(%run_scoped3A : memref<!tpu.dma_semaphore, #tpu.memory_space<semaphore_mem>>) src(%dma_wait3A_26 : memref<125x80xi32, #tpu.memory_space<hbm>>) dst(%arg7 : memref<125x80xi32, #tpu.memory_space<vmem>>)
      tpu.yield
    }) : () -> ()
    "tpu.region"() ({
      %run_scoped3A = tpu.sem_alloc : memref<!tpu.dma_semaphore, #tpu.memory_space<semaphore_mem>>
      %dma_start3A = arith.constant 0 : i32
      %dma_start3A_13 = arith.constant 0 : i32
      %dma_start3A_14 = tpu.memref_slice %arg4[%add3A, %dma_start3A, %dma_start3A_13] : memref<32x125x80xi32, #tpu.memory_space<hbm>> -> memref<1x125x80xi32, #tpu.memory_space<hbm>>
      %dma_start3A_15 = tpu.memref_squeeze %dma_start3A_14 : memref<1x125x80xi32, #tpu.memory_space<hbm>> -> memref<125x80xi32, #tpu.memory_space<hbm>>
      %dma_start3A_16 = arith.constant 0 : i32
      %dma_start3A_17 = arith.constant 0 : i32
      %dma_start3A_18 = tpu.memref_slice %arg4[%add3A, %dma_start3A_16, %dma_start3A_17] : memref<32x125x80xi32, #tpu.memory_space<hbm>> -> memref<1x125x80xi32, #tpu.memory_space<hbm>>
      %dma_start3A_19 = tpu.memref_squeeze %dma_start3A_18 : memref<1x125x80xi32, #tpu.memory_space<hbm>> -> memref<125x80xi32, #tpu.memory_space<hbm>>
      tpu.enqueue_dma source(%dma_start3A_19 : memref<125x80xi32, #tpu.memory_space<hbm>>) target(%arg8 : memref<125x80xi32, #tpu.memory_space<vmem>>) target_semaphore(%run_scoped3A : memref<!tpu.dma_semaphore, #tpu.memory_space<semaphore_mem>>)
      %dma_wait3A = arith.constant 0 : i32
      %dma_wait3A_20 = arith.constant 0 : i32
      %dma_wait3A_21 = tpu.memref_slice %arg4[%add3A, %dma_wait3A, %dma_wait3A_20] : memref<32x125x80xi32, #tpu.memory_space<hbm>> -> memref<1x125x80xi32, #tpu.memory_space<hbm>>
      %dma_wait3A_22 = tpu.memref_squeeze %dma_wait3A_21 : memref<1x125x80xi32, #tpu.memory_space<hbm>> -> memref<125x80xi32, #tpu.memory_space<hbm>>
      %dma_wait3A_23 = arith.constant 0 : i32
      %dma_wait3A_24 = arith.constant 0 : i32
      %dma_wait3A_25 = tpu.memref_slice %arg4[%add3A, %dma_wait3A_23, %dma_wait3A_24] : memref<32x125x80xi32, #tpu.memory_space<hbm>> -> memref<1x125x80xi32, #tpu.memory_space<hbm>>
      %dma_wait3A_26 = tpu.memref_squeeze %dma_wait3A_25 : memref<1x125x80xi32, #tpu.memory_space<hbm>> -> memref<125x80xi32, #tpu.memory_space<hbm>>
      tpu.wait_dma2 semaphore(%run_scoped3A : memref<!tpu.dma_semaphore, #tpu.memory_space<semaphore_mem>>) src(%dma_wait3A_26 : memref<125x80xi32, #tpu.memory_space<hbm>>) dst(%arg8 : memref<125x80xi32, #tpu.memory_space<vmem>>)
      tpu.yield
    }) : () -> ()
    %barrier3A = arith.constant 0 : index
    tpu.barrier barrier_id(%barrier3A)
    %scan3A = arith.constant 0 : i32
    %scan3A_3 = arith.constant 0 : i32
    %scan3A_4 = arith.constant 125 : i32
    %scan3A_5 = arith.addi %scan3A_3, %scan3A_4 : i32
    %scan3A_6 = arith.constant 1 : i32
    scf.for %scan3A_13 = %scan3A_3 to %scan3A_5 step %scan3A_6  : i32 {
      %dma_start3A = arith.constant 0 : i32
      %dma_start3A_14 = tpu.memref_slice %arg7[%scan3A_13, %dma_start3A] : memref<125x80xi32, #tpu.memory_space<vmem>> -> memref<1x80xi32, #tpu.memory_space<vmem>>
      %dma_start3A_15 = tpu.memref_squeeze %dma_start3A_14 : memref<1x80xi32, #tpu.memory_space<vmem>> -> memref<80xi32, #tpu.memory_space<vmem>>
      %dma_start3A_16 = arith.constant 0 : i32
      %dma_start3A_17 = arith.constant 0 : i32
      %dma_start3A_18 = tpu.memref_slice %arg2[%dma_start3A_16, %dma_start3A_17] : memref<10000x128xf32, #tpu.memory_space<hbm>> -> memref<10000x128xf32, #tpu.memory_space<hbm>>
      tpu.enqueue_indirect_dma source(%dma_start3A_18 : memref<10000x128xf32, #tpu.memory_space<hbm>>) target(%arg9 : memref<80x128xf32, #tpu.memory_space<vmem>>) offsets(%dma_start3A_15 : memref<80xi32, #tpu.memory_space<vmem>>) semaphore(%arg11 : memref<!tpu.dma_semaphore, #tpu.memory_space<semaphore_mem>>)
      %dma_wait3A = arith.constant 0 : i32
      %dma_wait3A_19 = tpu.memref_slice %arg7[%scan3A_13, %dma_wait3A] : memref<125x80xi32, #tpu.memory_space<vmem>> -> memref<1x80xi32, #tpu.memory_space<vmem>>
      %dma_wait3A_20 = tpu.memref_squeeze %dma_wait3A_19 : memref<1x80xi32, #tpu.memory_space<vmem>> -> memref<80xi32, #tpu.memory_space<vmem>>
      %dma_wait3A_21 = arith.constant 0 : i32
      %dma_wait3A_22 = arith.constant 0 : i32
      %dma_wait3A_23 = tpu.memref_slice %arg2[%dma_wait3A_21, %dma_wait3A_22] : memref<10000x128xf32, #tpu.memory_space<hbm>> -> memref<10000x128xf32, #tpu.memory_space<hbm>>
      tpu.wait_indirect_dma semaphore(%arg11 : memref<!tpu.dma_semaphore, #tpu.memory_space<semaphore_mem>>) src(%dma_wait3A_23 : memref<10000x128xf32, #tpu.memory_space<hbm>>) dst(%arg9 : memref<80x128xf32, #tpu.memory_space<vmem>>)
      "tpu.region"() ({
        %run_scoped3A = tpu.sem_alloc : memref<!tpu.dma_semaphore, #tpu.memory_space<semaphore_mem>>
        %dma_start3A_24 = arith.constant 0 : i32
        %dma_start3A_25 = tpu.memref_slice %arg8[%scan3A_13, %dma_start3A_24] : memref<125x80xi32, #tpu.memory_space<vmem>> -> memref<1x80xi32, #tpu.memory_space<vmem>>
        %dma_start3A_26 = tpu.memref_squeeze %dma_start3A_25 : memref<1x80xi32, #tpu.memory_space<vmem>> -> memref<80xi32, #tpu.memory_space<vmem>>
        %dma_start3A_27 = arith.constant 0 : i32
        %dma_start3A_28 = arith.constant 0 : i32
        %dma_start3A_29 = tpu.memref_slice %arg10[%dma_start3A_27, %dma_start3A_28] : memref<10240x128xf32, #tpu.memory_space<vmem_shared>> -> memref<10240x128xf32, #tpu.memory_space<vmem_shared>>
        tpu.enqueue_indirect_dma source(%arg9 : memref<80x128xf32, #tpu.memory_space<vmem>>) target(%dma_start3A_29 : memref<10240x128xf32, #tpu.memory_space<vmem_shared>>) offsets(%dma_start3A_26 : memref<80xi32, #tpu.memory_space<vmem>>) semaphore(%run_scoped3A : memref<!tpu.dma_semaphore, #tpu.memory_space<semaphore_mem>>) {add = true}
        %dma_wait3A_30 = arith.constant 0 : i32
        %dma_wait3A_31 = tpu.memref_slice %arg8[%scan3A_13, %dma_wait3A_30] : memref<125x80xi32, #tpu.memory_space<vmem>> -> memref<1x80xi32, #tpu.memory_space<vmem>>
        %dma_wait3A_32 = tpu.memref_squeeze %dma_wait3A_31 : memref<1x80xi32, #tpu.memory_space<vmem>> -> memref<80xi32, #tpu.memory_space<vmem>>
        %dma_wait3A_33 = arith.constant 0 : i32
        %dma_wait3A_34 = arith.constant 0 : i32
        %dma_wait3A_35 = tpu.memref_slice %arg10[%dma_wait3A_33, %dma_wait3A_34] : memref<10240x128xf32, #tpu.memory_space<vmem_shared>> -> memref<10240x128xf32, #tpu.memory_space<vmem_shared>>
        tpu.wait_indirect_dma semaphore(%run_scoped3A : memref<!tpu.dma_semaphore, #tpu.memory_space<semaphore_mem>>) src(%arg9 : memref<80x128xf32, #tpu.memory_space<vmem>>) dst(%dma_wait3A_35 : memref<10240x128xf32, #tpu.memory_space<vmem_shared>>)
        tpu.yield
      }) : () -> ()
    }
    %scan3A_7 = arith.constant 125 : i32
    %barrier3A_8 = arith.constant 0 : index
    tpu.barrier barrier_id(%barrier3A_8)
    %mul3A_9 = arith.constant 640 : i32
    %mul3A_10 = arith.muli %arg1, %mul3A_9 : i32
    %mul3A_11 = arith.constant 640 : i32
    %mul3A_12 = arith.muli %arg1, %mul3A_11 : i32
    "tpu.region"() ({
      %run_scoped3A = tpu.sem_alloc : memref<!tpu.dma_semaphore, #tpu.memory_space<semaphore_mem>>
      %dma_start3A = arith.constant 0 : i32
      %dma_start3A_13 = tpu.memref_slice %arg6[%arg0, %mul3A_12, %dma_start3A] : memref<2x10240x128xf32, #tpu.memory_space<hbm>> -> memref<1x640x128xf32, #tpu.memory_space<hbm>>
      %dma_start3A_14 = tpu.memref_squeeze %dma_start3A_13 : memref<1x640x128xf32, #tpu.memory_space<hbm>> -> memref<640x128xf32, #tpu.memory_space<hbm>>
      %dma_start3A_15 = arith.constant 0 : i32
      %dma_start3A_16 = tpu.memref_slice %arg10[%mul3A_10, %dma_start3A_15] : memref<10240x128xf32, #tpu.memory_space<vmem_shared>> -> memref<640x128xf32, #tpu.memory_space<vmem_shared>>
      tpu.enqueue_dma source(%dma_start3A_16 : memref<640x128xf32, #tpu.memory_space<vmem_shared>>) target(%dma_start3A_14 : memref<640x128xf32, #tpu.memory_space<hbm>>) target_semaphore(%run_scoped3A : memref<!tpu.dma_semaphore, #tpu.memory_space<semaphore_mem>>)
      %dma_wait3A = arith.constant 0 : i32
      %dma_wait3A_17 = tpu.memref_slice %arg6[%arg0, %mul3A_12, %dma_wait3A] : memref<2x10240x128xf32, #tpu.memory_space<hbm>> -> memref<1x640x128xf32, #tpu.memory_space<hbm>>
      %dma_wait3A_18 = tpu.memref_squeeze %dma_wait3A_17 : memref<1x640x128xf32, #tpu.memory_space<hbm>> -> memref<640x128xf32, #tpu.memory_space<hbm>>
      %dma_wait3A_19 = arith.constant 0 : i32
      %dma_wait3A_20 = tpu.memref_slice %arg10[%mul3A_10, %dma_wait3A_19] : memref<10240x128xf32, #tpu.memory_space<vmem_shared>> -> memref<640x128xf32, #tpu.memory_space<vmem_shared>>
      tpu.wait_dma2 semaphore(%run_scoped3A : memref<!tpu.dma_semaphore, #tpu.memory_space<semaphore_mem>>) src(%dma_wait3A_20 : memref<640x128xf32, #tpu.memory_space<vmem_shared>>) dst(%dma_wait3A_18 : memref<640x128xf32, #tpu.memory_space<hbm>>)
      tpu.yield
    }) : () -> ()
    return
  }
}

#map = affine_map<(d0, d1) -> (0, 0)>
#map1 = affine_map<(d0, d1) -> (0, 0, 0)>
module attributes {stable_mosaic.version = 14 : i64} {
  func.func @_seg_sum(%arg0: i32, %arg1: i32, %arg2: memref<10000x128xf32, #tpu.memory_space<hbm>>, %arg3: memref<32x125x80xi32, #tpu.memory_space<hbm>>, %arg4: memref<32x125x80xi32, #tpu.memory_space<hbm>>, %arg5: memref<640x128xf32, #tpu.memory_space<hbm>>, %arg6: memref<2x10240x128xf32, #tpu.memory_space<hbm>>, %arg7: memref<125x80xi32, #tpu.memory_space<vmem>>, %arg8: memref<125x80xi32, #tpu.memory_space<vmem>>, %arg9: memref<80x128xf32, #tpu.memory_space<vmem>>, %arg10: memref<10240x128xf32, #tpu.memory_space<vmem_shared>>, %arg11: memref<!tpu.dma_semaphore, #tpu.memory_space<semaphore_mem>>) attributes {dimension_semantics = [#tpu.dimension_semantics<core_parallel>, #tpu.dimension_semantics<subcore_parallel>], iteration_bounds = array<i64: 2, 16>, scalar_prefetch = 0 : i64, scratch_operands = 5 : i64, tpu.core_type = #tpu.core_type<sc_vector_subcore>, window_params = [{transform_indices = #map}, {transform_indices = #map1}, {transform_indices = #map1}, {transform_indices = #map}, {transform_indices = #map1}]} {
    %mul3A = arith.constant 2 : i32
    %mul3A_0 = arith.muli %arg1, %mul3A : i32
    %add3A = arith.addi %mul3A_0, %arg0 : i32
    %mul3A_1 = arith.constant 640 : i32
    %mul3A_2 = arith.muli %arg1, %mul3A_1 : i32
    "tpu.region"() ({
      %run_scoped3A = tpu.sem_alloc : memref<!tpu.dma_semaphore, #tpu.memory_space<semaphore_mem>>
      %dma_start3A = arith.constant 0 : i32
      %dma_start3A_13 = tpu.memref_slice %arg10[%mul3A_2, %dma_start3A] : memref<10240x128xf32, #tpu.memory_space<vmem_shared>> -> memref<640x128xf32, #tpu.memory_space<vmem_shared>>
      tpu.enqueue_dma source(%arg5 : memref<640x128xf32, #tpu.memory_space<hbm>>) target(%dma_start3A_13 : memref<640x128xf32, #tpu.memory_space<vmem_shared>>) target_semaphore(%run_scoped3A : memref<!tpu.dma_semaphore, #tpu.memory_space<semaphore_mem>>)
      %dma_wait3A = arith.constant 0 : i32
      %dma_wait3A_14 = tpu.memref_slice %arg10[%mul3A_2, %dma_wait3A] : memref<10240x128xf32, #tpu.memory_space<vmem_shared>> -> memref<640x128xf32, #tpu.memory_space<vmem_shared>>
      tpu.wait_dma2 semaphore(%run_scoped3A : memref<!tpu.dma_semaphore, #tpu.memory_space<semaphore_mem>>) src(%arg5 : memref<640x128xf32, #tpu.memory_space<hbm>>) dst(%dma_wait3A_14 : memref<640x128xf32, #tpu.memory_space<vmem_shared>>)
      tpu.yield
    }) : () -> ()
    "tpu.region"() ({
      %run_scoped3A = tpu.sem_alloc : memref<!tpu.dma_semaphore, #tpu.memory_space<semaphore_mem>>
      %dma_start3A = arith.constant 0 : i32
      %dma_start3A_13 = arith.constant 0 : i32
      %dma_start3A_14 = tpu.memref_slice %arg3[%add3A, %dma_start3A, %dma_start3A_13] : memref<32x125x80xi32, #tpu.memory_space<hbm>> -> memref<1x125x80xi32, #tpu.memory_space<hbm>>
      %dma_start3A_15 = tpu.memref_squeeze %dma_start3A_14 : memref<1x125x80xi32, #tpu.memory_space<hbm>> -> memref<125x80xi32, #tpu.memory_space<hbm>>
      %dma_start3A_16 = arith.constant 0 : i32
      %dma_start3A_17 = arith.constant 0 : i32
      %dma_start3A_18 = tpu.memref_slice %arg3[%add3A, %dma_start3A_16, %dma_start3A_17] : memref<32x125x80xi32, #tpu.memory_space<hbm>> -> memref<1x125x80xi32, #tpu.memory_space<hbm>>
      %dma_start3A_19 = tpu.memref_squeeze %dma_start3A_18 : memref<1x125x80xi32, #tpu.memory_space<hbm>> -> memref<125x80xi32, #tpu.memory_space<hbm>>
      tpu.enqueue_dma source(%dma_start3A_19 : memref<125x80xi32, #tpu.memory_space<hbm>>) target(%arg7 : memref<125x80xi32, #tpu.memory_space<vmem>>) target_semaphore(%run_scoped3A : memref<!tpu.dma_semaphore, #tpu.memory_space<semaphore_mem>>)
      %dma_wait3A = arith.constant 0 : i32
      %dma_wait3A_20 = arith.constant 0 : i32
      %dma_wait3A_21 = tpu.memref_slice %arg3[%add3A, %dma_wait3A, %dma_wait3A_20] : memref<32x125x80xi32, #tpu.memory_space<hbm>> -> memref<1x125x80xi32, #tpu.memory_space<hbm>>
      %dma_wait3A_22 = tpu.memref_squeeze %dma_wait3A_21 : memref<1x125x80xi32, #tpu.memory_space<hbm>> -> memref<125x80xi32, #tpu.memory_space<hbm>>
      %dma_wait3A_23 = arith.constant 0 : i32
      %dma_wait3A_24 = arith.constant 0 : i32
      %dma_wait3A_25 = tpu.memref_slice %arg3[%add3A, %dma_wait3A_23, %dma_wait3A_24] : memref<32x125x80xi32, #tpu.memory_space<hbm>> -> memref<1x125x80xi32, #tpu.memory_space<hbm>>
      %dma_wait3A_26 = tpu.memref_squeeze %dma_wait3A_25 : memref<1x125x80xi32, #tpu.memory_space<hbm>> -> memref<125x80xi32, #tpu.memory_space<hbm>>
      tpu.wait_dma2 semaphore(%run_scoped3A : memref<!tpu.dma_semaphore, #tpu.memory_space<semaphore_mem>>) src(%dma_wait3A_26 : memref<125x80xi32, #tpu.memory_space<hbm>>) dst(%arg7 : memref<125x80xi32, #tpu.memory_space<vmem>>)
      tpu.yield
    }) : () -> ()
    "tpu.region"() ({
      %run_scoped3A = tpu.sem_alloc : memref<!tpu.dma_semaphore, #tpu.memory_space<semaphore_mem>>
      %dma_start3A = arith.constant 0 : i32
      %dma_start3A_13 = arith.constant 0 : i32
      %dma_start3A_14 = tpu.memref_slice %arg4[%add3A, %dma_start3A, %dma_start3A_13] : memref<32x125x80xi32, #tpu.memory_space<hbm>> -> memref<1x125x80xi32, #tpu.memory_space<hbm>>
      %dma_start3A_15 = tpu.memref_squeeze %dma_start3A_14 : memref<1x125x80xi32, #tpu.memory_space<hbm>> -> memref<125x80xi32, #tpu.memory_space<hbm>>
      %dma_start3A_16 = arith.constant 0 : i32
      %dma_start3A_17 = arith.constant 0 : i32
      %dma_start3A_18 = tpu.memref_slice %arg4[%add3A, %dma_start3A_16, %dma_start3A_17] : memref<32x125x80xi32, #tpu.memory_space<hbm>> -> memref<1x125x80xi32, #tpu.memory_space<hbm>>
      %dma_start3A_19 = tpu.memref_squeeze %dma_start3A_18 : memref<1x125x80xi32, #tpu.memory_space<hbm>> -> memref<125x80xi32, #tpu.memory_space<hbm>>
      tpu.enqueue_dma source(%dma_start3A_19 : memref<125x80xi32, #tpu.memory_space<hbm>>) target(%arg8 : memref<125x80xi32, #tpu.memory_space<vmem>>) target_semaphore(%run_scoped3A : memref<!tpu.dma_semaphore, #tpu.memory_space<semaphore_mem>>)
      %dma_wait3A = arith.constant 0 : i32
      %dma_wait3A_20 = arith.constant 0 : i32
      %dma_wait3A_21 = tpu.memref_slice %arg4[%add3A, %dma_wait3A, %dma_wait3A_20] : memref<32x125x80xi32, #tpu.memory_space<hbm>> -> memref<1x125x80xi32, #tpu.memory_space<hbm>>
      %dma_wait3A_22 = tpu.memref_squeeze %dma_wait3A_21 : memref<1x125x80xi32, #tpu.memory_space<hbm>> -> memref<125x80xi32, #tpu.memory_space<hbm>>
      %dma_wait3A_23 = arith.constant 0 : i32
      %dma_wait3A_24 = arith.constant 0 : i32
      %dma_wait3A_25 = tpu.memref_slice %arg4[%add3A, %dma_wait3A_23, %dma_wait3A_24] : memref<32x125x80xi32, #tpu.memory_space<hbm>> -> memref<1x125x80xi32, #tpu.memory_space<hbm>>
      %dma_wait3A_26 = tpu.memref_squeeze %dma_wait3A_25 : memref<1x125x80xi32, #tpu.memory_space<hbm>> -> memref<125x80xi32, #tpu.memory_space<hbm>>
      tpu.wait_dma2 semaphore(%run_scoped3A : memref<!tpu.dma_semaphore, #tpu.memory_space<semaphore_mem>>) src(%dma_wait3A_26 : memref<125x80xi32, #tpu.memory_space<hbm>>) dst(%arg8 : memref<125x80xi32, #tpu.memory_space<vmem>>)
      tpu.yield
    }) : () -> ()
    %barrier3A = arith.constant 0 : index
    tpu.barrier barrier_id(%barrier3A)
    %scan3A = arith.constant 0 : i32
    %scan3A_3 = arith.constant 0 : i32
    %scan3A_4 = arith.constant 125 : i32
    %scan3A_5 = arith.addi %scan3A_3, %scan3A_4 : i32
    %scan3A_6 = arith.constant 1 : i32
    scf.for %scan3A_13 = %scan3A_3 to %scan3A_5 step %scan3A_6  : i32 {
      %dma_start3A = arith.constant 0 : i32
      %dma_start3A_14 = tpu.memref_slice %arg7[%scan3A_13, %dma_start3A] : memref<125x80xi32, #tpu.memory_space<vmem>> -> memref<1x80xi32, #tpu.memory_space<vmem>>
      %dma_start3A_15 = tpu.memref_squeeze %dma_start3A_14 : memref<1x80xi32, #tpu.memory_space<vmem>> -> memref<80xi32, #tpu.memory_space<vmem>>
      %dma_start3A_16 = arith.constant 0 : i32
      %dma_start3A_17 = arith.constant 0 : i32
      %dma_start3A_18 = tpu.memref_slice %arg2[%dma_start3A_16, %dma_start3A_17] : memref<10000x128xf32, #tpu.memory_space<hbm>> -> memref<10000x128xf32, #tpu.memory_space<hbm>>
      tpu.enqueue_indirect_dma source(%dma_start3A_18 : memref<10000x128xf32, #tpu.memory_space<hbm>>) target(%arg9 : memref<80x128xf32, #tpu.memory_space<vmem>>) offsets(%dma_start3A_15 : memref<80xi32, #tpu.memory_space<vmem>>) semaphore(%arg11 : memref<!tpu.dma_semaphore, #tpu.memory_space<semaphore_mem>>)
      %dma_wait3A = arith.constant 0 : i32
      %dma_wait3A_19 = tpu.memref_slice %arg7[%scan3A_13, %dma_wait3A] : memref<125x80xi32, #tpu.memory_space<vmem>> -> memref<1x80xi32, #tpu.memory_space<vmem>>
      %dma_wait3A_20 = tpu.memref_squeeze %dma_wait3A_19 : memref<1x80xi32, #tpu.memory_space<vmem>> -> memref<80xi32, #tpu.memory_space<vmem>>
      %dma_wait3A_21 = arith.constant 0 : i32
      %dma_wait3A_22 = arith.constant 0 : i32
      %dma_wait3A_23 = tpu.memref_slice %arg2[%dma_wait3A_21, %dma_wait3A_22] : memref<10000x128xf32, #tpu.memory_space<hbm>> -> memref<10000x128xf32, #tpu.memory_space<hbm>>
      tpu.wait_indirect_dma semaphore(%arg11 : memref<!tpu.dma_semaphore, #tpu.memory_space<semaphore_mem>>) src(%dma_wait3A_23 : memref<10000x128xf32, #tpu.memory_space<hbm>>) dst(%arg9 : memref<80x128xf32, #tpu.memory_space<vmem>>)
      "tpu.region"() ({
        %run_scoped3A = tpu.sem_alloc : memref<!tpu.dma_semaphore, #tpu.memory_space<semaphore_mem>>
        %dma_start3A_24 = arith.constant 0 : i32
        %dma_start3A_25 = tpu.memref_slice %arg8[%scan3A_13, %dma_start3A_24] : memref<125x80xi32, #tpu.memory_space<vmem>> -> memref<1x80xi32, #tpu.memory_space<vmem>>
        %dma_start3A_26 = tpu.memref_squeeze %dma_start3A_25 : memref<1x80xi32, #tpu.memory_space<vmem>> -> memref<80xi32, #tpu.memory_space<vmem>>
        %dma_start3A_27 = arith.constant 0 : i32
        %dma_start3A_28 = arith.constant 0 : i32
        %dma_start3A_29 = tpu.memref_slice %arg10[%dma_start3A_27, %dma_start3A_28] : memref<10240x128xf32, #tpu.memory_space<vmem_shared>> -> memref<10240x128xf32, #tpu.memory_space<vmem_shared>>
        tpu.enqueue_indirect_dma source(%arg9 : memref<80x128xf32, #tpu.memory_space<vmem>>) target(%dma_start3A_29 : memref<10240x128xf32, #tpu.memory_space<vmem_shared>>) offsets(%dma_start3A_26 : memref<80xi32, #tpu.memory_space<vmem>>) semaphore(%run_scoped3A : memref<!tpu.dma_semaphore, #tpu.memory_space<semaphore_mem>>) {add = true}
        %dma_wait3A_30 = arith.constant 0 : i32
        %dma_wait3A_31 = tpu.memref_slice %arg8[%scan3A_13, %dma_wait3A_30] : memref<125x80xi32, #tpu.memory_space<vmem>> -> memref<1x80xi32, #tpu.memory_space<vmem>>
        %dma_wait3A_32 = tpu.memref_squeeze %dma_wait3A_31 : memref<1x80xi32, #tpu.memory_space<vmem>> -> memref<80xi32, #tpu.memory_space<vmem>>
        %dma_wait3A_33 = arith.constant 0 : i32
        %dma_wait3A_34 = arith.constant 0 : i32
        %dma_wait3A_35 = tpu.memref_slice %arg10[%dma_wait3A_33, %dma_wait3A_34] : memref<10240x128xf32, #tpu.memory_space<vmem_shared>> -> memref<10240x128xf32, #tpu.memory_space<vmem_shared>>
        tpu.wait_indirect_dma semaphore(%run_scoped3A : memref<!tpu.dma_semaphore, #tpu.memory_space<semaphore_mem>>) src(%arg9 : memref<80x128xf32, #tpu.memory_space<vmem>>) dst(%dma_wait3A_35 : memref<10240x128xf32, #tpu.memory_space<vmem_shared>>)
        tpu.yield
      }) : () -> ()
    }
    %scan3A_7 = arith.constant 125 : i32
    %barrier3A_8 = arith.constant 0 : index
    tpu.barrier barrier_id(%barrier3A_8)
    %mul3A_9 = arith.constant 640 : i32
    %mul3A_10 = arith.muli %arg1, %mul3A_9 : i32
    %mul3A_11 = arith.constant 640 : i32
    %mul3A_12 = arith.muli %arg1, %mul3A_11 : i32
    "tpu.region"() ({
      %run_scoped3A = tpu.sem_alloc : memref<!tpu.dma_semaphore, #tpu.memory_space<semaphore_mem>>
      %dma_start3A = arith.constant 0 : i32
      %dma_start3A_13 = tpu.memref_slice %arg6[%arg0, %mul3A_12, %dma_start3A] : memref<2x10240x128xf32, #tpu.memory_space<hbm>> -> memref<1x640x128xf32, #tpu.memory_space<hbm>>
      %dma_start3A_14 = tpu.memref_squeeze %dma_start3A_13 : memref<1x640x128xf32, #tpu.memory_space<hbm>> -> memref<640x128xf32, #tpu.memory_space<hbm>>
      %dma_start3A_15 = arith.constant 0 : i32
      %dma_start3A_16 = tpu.memref_slice %arg10[%mul3A_10, %dma_start3A_15] : memref<10240x128xf32, #tpu.memory_space<vmem_shared>> -> memref<640x128xf32, #tpu.memory_space<vmem_shared>>
      tpu.enqueue_dma source(%dma_start3A_16 : memref<640x128xf32, #tpu.memory_space<vmem_shared>>) target(%dma_start3A_14 : memref<640x128xf32, #tpu.memory_space<hbm>>) target_semaphore(%run_scoped3A : memref<!tpu.dma_semaphore, #tpu.memory_space<semaphore_mem>>)
      %dma_wait3A = arith.constant 0 : i32
      %dma_wait3A_17 = tpu.memref_slice %arg6[%arg0, %mul3A_12, %dma_wait3A] : memref<2x10240x128xf32, #tpu.memory_space<hbm>> -> memref<1x640x128xf32, #tpu.memory_space<hbm>>
      %dma_wait3A_18 = tpu.memref_squeeze %dma_wait3A_17 : memref<1x640x128xf32, #tpu.memory_space<hbm>> -> memref<640x128xf32, #tpu.memory_space<hbm>>
      %dma_wait3A_19 = arith.constant 0 : i32
      %dma_wait3A_20 = tpu.memref_slice %arg10[%mul3A_10, %dma_wait3A_19] : memref<10240x128xf32, #tpu.memory_space<vmem_shared>> -> memref<640x128xf32, #tpu.memory_space<vmem_shared>>
      tpu.wait_dma2 semaphore(%run_scoped3A : memref<!tpu.dma_semaphore, #tpu.memory_space<semaphore_mem>>) src(%dma_wait3A_20 : memref<640x128xf32, #tpu.memory_space<vmem_shared>>) dst(%dma_wait3A_18 : memref<640x128xf32, #tpu.memory_space<hbm>>)
      tpu.yield
    }) : () -> ()
    return
  }
}

#map = affine_map<(d0, d1) -> (0, 0, 0)>
#map1 = affine_map<(d0, d1) -> (0, 0)>
module attributes {stable_mosaic.version = 14 : i64} {
  func.func @_deg_sum(%arg0: i32, %arg1: i32, %arg2: memref<32x125x80xi32, #tpu.memory_space<hbm>>, %arg3: memref<640x128xf32, #tpu.memory_space<hbm>>, %arg4: memref<80x128xf32, #tpu.memory_space<hbm>>, %arg5: memref<2x10240x128xf32, #tpu.memory_space<hbm>>, %arg6: memref<125x80xi32, #tpu.memory_space<vmem>>, %arg7: memref<80x128xf32, #tpu.memory_space<vmem>>, %arg8: memref<10240x128xf32, #tpu.memory_space<vmem_shared>>, %arg9: memref<!tpu.dma_semaphore, #tpu.memory_space<semaphore_mem>>) attributes {dimension_semantics = [#tpu.dimension_semantics<core_parallel>, #tpu.dimension_semantics<subcore_parallel>], iteration_bounds = array<i64: 2, 16>, scalar_prefetch = 0 : i64, scratch_operands = 4 : i64, tpu.core_type = #tpu.core_type<sc_vector_subcore>, window_params = [{transform_indices = #map}, {transform_indices = #map1}, {transform_indices = #map1}, {transform_indices = #map}]} {
    %mul3A = arith.constant 2 : i32
    %mul3A_0 = arith.muli %arg1, %mul3A : i32
    %add3A = arith.addi %mul3A_0, %arg0 : i32
    %mul3A_1 = arith.constant 640 : i32
    %mul3A_2 = arith.muli %arg1, %mul3A_1 : i32
    "tpu.region"() ({
      %run_scoped3A = tpu.sem_alloc : memref<!tpu.dma_semaphore, #tpu.memory_space<semaphore_mem>>
      %dma_start3A = arith.constant 0 : i32
      %dma_start3A_13 = tpu.memref_slice %arg8[%mul3A_2, %dma_start3A] : memref<10240x128xf32, #tpu.memory_space<vmem_shared>> -> memref<640x128xf32, #tpu.memory_space<vmem_shared>>
      tpu.enqueue_dma source(%arg3 : memref<640x128xf32, #tpu.memory_space<hbm>>) target(%dma_start3A_13 : memref<640x128xf32, #tpu.memory_space<vmem_shared>>) target_semaphore(%run_scoped3A : memref<!tpu.dma_semaphore, #tpu.memory_space<semaphore_mem>>)
      %dma_wait3A = arith.constant 0 : i32
      %dma_wait3A_14 = tpu.memref_slice %arg8[%mul3A_2, %dma_wait3A] : memref<10240x128xf32, #tpu.memory_space<vmem_shared>> -> memref<640x128xf32, #tpu.memory_space<vmem_shared>>
      tpu.wait_dma2 semaphore(%run_scoped3A : memref<!tpu.dma_semaphore, #tpu.memory_space<semaphore_mem>>) src(%arg3 : memref<640x128xf32, #tpu.memory_space<hbm>>) dst(%dma_wait3A_14 : memref<640x128xf32, #tpu.memory_space<vmem_shared>>)
      tpu.yield
    }) : () -> ()
    "tpu.region"() ({
      %run_scoped3A = tpu.sem_alloc : memref<!tpu.dma_semaphore, #tpu.memory_space<semaphore_mem>>
      tpu.enqueue_dma source(%arg4 : memref<80x128xf32, #tpu.memory_space<hbm>>) target(%arg7 : memref<80x128xf32, #tpu.memory_space<vmem>>) target_semaphore(%run_scoped3A : memref<!tpu.dma_semaphore, #tpu.memory_space<semaphore_mem>>)
      tpu.wait_dma2 semaphore(%run_scoped3A : memref<!tpu.dma_semaphore, #tpu.memory_space<semaphore_mem>>) src(%arg4 : memref<80x128xf32, #tpu.memory_space<hbm>>) dst(%arg7 : memref<80x128xf32, #tpu.memory_space<vmem>>)
      tpu.yield
    }) : () -> ()
    "tpu.region"() ({
      %run_scoped3A = tpu.sem_alloc : memref<!tpu.dma_semaphore, #tpu.memory_space<semaphore_mem>>
      %dma_start3A = arith.constant 0 : i32
      %dma_start3A_13 = arith.constant 0 : i32
      %dma_start3A_14 = tpu.memref_slice %arg2[%add3A, %dma_start3A, %dma_start3A_13] : memref<32x125x80xi32, #tpu.memory_space<hbm>> -> memref<1x125x80xi32, #tpu.memory_space<hbm>>
      %dma_start3A_15 = tpu.memref_squeeze %dma_start3A_14 : memref<1x125x80xi32, #tpu.memory_space<hbm>> -> memref<125x80xi32, #tpu.memory_space<hbm>>
      %dma_start3A_16 = arith.constant 0 : i32
      %dma_start3A_17 = arith.constant 0 : i32
      %dma_start3A_18 = tpu.memref_slice %arg2[%add3A, %dma_start3A_16, %dma_start3A_17] : memref<32x125x80xi32, #tpu.memory_space<hbm>> -> memref<1x125x80xi32, #tpu.memory_space<hbm>>
      %dma_start3A_19 = tpu.memref_squeeze %dma_start3A_18 : memref<1x125x80xi32, #tpu.memory_space<hbm>> -> memref<125x80xi32, #tpu.memory_space<hbm>>
      tpu.enqueue_dma source(%dma_start3A_19 : memref<125x80xi32, #tpu.memory_space<hbm>>) target(%arg6 : memref<125x80xi32, #tpu.memory_space<vmem>>) target_semaphore(%run_scoped3A : memref<!tpu.dma_semaphore, #tpu.memory_space<semaphore_mem>>)
      %dma_wait3A = arith.constant 0 : i32
      %dma_wait3A_20 = arith.constant 0 : i32
      %dma_wait3A_21 = tpu.memref_slice %arg2[%add3A, %dma_wait3A, %dma_wait3A_20] : memref<32x125x80xi32, #tpu.memory_space<hbm>> -> memref<1x125x80xi32, #tpu.memory_space<hbm>>
      %dma_wait3A_22 = tpu.memref_squeeze %dma_wait3A_21 : memref<1x125x80xi32, #tpu.memory_space<hbm>> -> memref<125x80xi32, #tpu.memory_space<hbm>>
      %dma_wait3A_23 = arith.constant 0 : i32
      %dma_wait3A_24 = arith.constant 0 : i32
      %dma_wait3A_25 = tpu.memref_slice %arg2[%add3A, %dma_wait3A_23, %dma_wait3A_24] : memref<32x125x80xi32, #tpu.memory_space<hbm>> -> memref<1x125x80xi32, #tpu.memory_space<hbm>>
      %dma_wait3A_26 = tpu.memref_squeeze %dma_wait3A_25 : memref<1x125x80xi32, #tpu.memory_space<hbm>> -> memref<125x80xi32, #tpu.memory_space<hbm>>
      tpu.wait_dma2 semaphore(%run_scoped3A : memref<!tpu.dma_semaphore, #tpu.memory_space<semaphore_mem>>) src(%dma_wait3A_26 : memref<125x80xi32, #tpu.memory_space<hbm>>) dst(%arg6 : memref<125x80xi32, #tpu.memory_space<vmem>>)
      tpu.yield
    }) : () -> ()
    %barrier3A = arith.constant 0 : index
    tpu.barrier barrier_id(%barrier3A)
    %scan3A = arith.constant 0 : i32
    %scan3A_3 = arith.constant 0 : i32
    %scan3A_4 = arith.constant 125 : i32
    %scan3A_5 = arith.addi %scan3A_3, %scan3A_4 : i32
    %scan3A_6 = arith.constant 1 : i32
    scf.for %scan3A_13 = %scan3A_3 to %scan3A_5 step %scan3A_6  : i32 {
      "tpu.region"() ({
        %run_scoped3A = tpu.sem_alloc : memref<!tpu.dma_semaphore, #tpu.memory_space<semaphore_mem>>
        %dma_start3A = arith.constant 0 : i32
        %dma_start3A_14 = tpu.memref_slice %arg6[%scan3A_13, %dma_start3A] : memref<125x80xi32, #tpu.memory_space<vmem>> -> memref<1x80xi32, #tpu.memory_space<vmem>>
        %dma_start3A_15 = tpu.memref_squeeze %dma_start3A_14 : memref<1x80xi32, #tpu.memory_space<vmem>> -> memref<80xi32, #tpu.memory_space<vmem>>
        %dma_start3A_16 = arith.constant 0 : i32
        %dma_start3A_17 = arith.constant 0 : i32
        %dma_start3A_18 = tpu.memref_slice %arg8[%dma_start3A_16, %dma_start3A_17] : memref<10240x128xf32, #tpu.memory_space<vmem_shared>> -> memref<10240x128xf32, #tpu.memory_space<vmem_shared>>
        tpu.enqueue_indirect_dma source(%arg7 : memref<80x128xf32, #tpu.memory_space<vmem>>) target(%dma_start3A_18 : memref<10240x128xf32, #tpu.memory_space<vmem_shared>>) offsets(%dma_start3A_15 : memref<80xi32, #tpu.memory_space<vmem>>) semaphore(%run_scoped3A : memref<!tpu.dma_semaphore, #tpu.memory_space<semaphore_mem>>) {add = true}
        %dma_wait3A = arith.constant 0 : i32
        %dma_wait3A_19 = tpu.memref_slice %arg6[%scan3A_13, %dma_wait3A] : memref<125x80xi32, #tpu.memory_space<vmem>> -> memref<1x80xi32, #tpu.memory_space<vmem>>
        %dma_wait3A_20 = tpu.memref_squeeze %dma_wait3A_19 : memref<1x80xi32, #tpu.memory_space<vmem>> -> memref<80xi32, #tpu.memory_space<vmem>>
        %dma_wait3A_21 = arith.constant 0 : i32
        %dma_wait3A_22 = arith.constant 0 : i32
        %dma_wait3A_23 = tpu.memref_slice %arg8[%dma_wait3A_21, %dma_wait3A_22] : memref<10240x128xf32, #tpu.memory_space<vmem_shared>> -> memref<10240x128xf32, #tpu.memory_space<vmem_shared>>
        tpu.wait_indirect_dma semaphore(%run_scoped3A : memref<!tpu.dma_semaphore, #tpu.memory_space<semaphore_mem>>) src(%arg7 : memref<80x128xf32, #tpu.memory_space<vmem>>) dst(%dma_wait3A_23 : memref<10240x128xf32, #tpu.memory_space<vmem_shared>>)
        tpu.yield
      }) : () -> ()
    }
    %scan3A_7 = arith.constant 125 : i32
    %barrier3A_8 = arith.constant 0 : index
    tpu.barrier barrier_id(%barrier3A_8)
    %mul3A_9 = arith.constant 640 : i32
    %mul3A_10 = arith.muli %arg1, %mul3A_9 : i32
    %mul3A_11 = arith.constant 640 : i32
    %mul3A_12 = arith.muli %arg1, %mul3A_11 : i32
    "tpu.region"() ({
      %run_scoped3A = tpu.sem_alloc : memref<!tpu.dma_semaphore, #tpu.memory_space<semaphore_mem>>
      %dma_start3A = arith.constant 0 : i32
      %dma_start3A_13 = tpu.memref_slice %arg5[%arg0, %mul3A_12, %dma_start3A] : memref<2x10240x128xf32, #tpu.memory_space<hbm>> -> memref<1x640x128xf32, #tpu.memory_space<hbm>>
      %dma_start3A_14 = tpu.memref_squeeze %dma_start3A_13 : memref<1x640x128xf32, #tpu.memory_space<hbm>> -> memref<640x128xf32, #tpu.memory_space<hbm>>
      %dma_start3A_15 = arith.constant 0 : i32
      %dma_start3A_16 = tpu.memref_slice %arg8[%mul3A_10, %dma_start3A_15] : memref<10240x128xf32, #tpu.memory_space<vmem_shared>> -> memref<640x128xf32, #tpu.memory_space<vmem_shared>>
      tpu.enqueue_dma source(%dma_start3A_16 : memref<640x128xf32, #tpu.memory_space<vmem_shared>>) target(%dma_start3A_14 : memref<640x128xf32, #tpu.memory_space<hbm>>) target_semaphore(%run_scoped3A : memref<!tpu.dma_semaphore, #tpu.memory_space<semaphore_mem>>)
      %dma_wait3A = arith.constant 0 : i32
      %dma_wait3A_17 = tpu.memref_slice %arg5[%arg0, %mul3A_12, %dma_wait3A] : memref<2x10240x128xf32, #tpu.memory_space<hbm>> -> memref<1x640x128xf32, #tpu.memory_space<hbm>>
      %dma_wait3A_18 = tpu.memref_squeeze %dma_wait3A_17 : memref<1x640x128xf32, #tpu.memory_space<hbm>> -> memref<640x128xf32, #tpu.memory_space<hbm>>
      %dma_wait3A_19 = arith.constant 0 : i32
      %dma_wait3A_20 = tpu.memref_slice %arg8[%mul3A_10, %dma_wait3A_19] : memref<10240x128xf32, #tpu.memory_space<vmem_shared>> -> memref<640x128xf32, #tpu.memory_space<vmem_shared>>
      tpu.wait_dma2 semaphore(%run_scoped3A : memref<!tpu.dma_semaphore, #tpu.memory_space<semaphore_mem>>) src(%dma_wait3A_20 : memref<640x128xf32, #tpu.memory_space<vmem_shared>>) dst(%dma_wait3A_18 : memref<640x128xf32, #tpu.memory_space<hbm>>)
      tpu.yield
    }) : () -> ()
    return
  }
}

#map = affine_map<(d0, d1) -> (0, 0)>
#map1 = affine_map<(d0, d1) -> (0, 0, 0)>
module attributes {stable_mosaic.version = 14 : i64} {
  func.func @_seg_sum(%arg0: i32, %arg1: i32, %arg2: memref<10000x128xf32, #tpu.memory_space<hbm>>, %arg3: memref<32x125x80xi32, #tpu.memory_space<hbm>>, %arg4: memref<32x125x80xi32, #tpu.memory_space<hbm>>, %arg5: memref<640x128xf32, #tpu.memory_space<hbm>>, %arg6: memref<2x10240x128xf32, #tpu.memory_space<hbm>>, %arg7: memref<125x80xi32, #tpu.memory_space<vmem>>, %arg8: memref<125x80xi32, #tpu.memory_space<vmem>>, %arg9: memref<80x128xf32, #tpu.memory_space<vmem>>, %arg10: memref<10240x128xf32, #tpu.memory_space<vmem_shared>>, %arg11: memref<!tpu.dma_semaphore, #tpu.memory_space<semaphore_mem>>) attributes {dimension_semantics = [#tpu.dimension_semantics<core_parallel>, #tpu.dimension_semantics<subcore_parallel>], iteration_bounds = array<i64: 2, 16>, scalar_prefetch = 0 : i64, scratch_operands = 5 : i64, tpu.core_type = #tpu.core_type<sc_vector_subcore>, window_params = [{transform_indices = #map}, {transform_indices = #map1}, {transform_indices = #map1}, {transform_indices = #map}, {transform_indices = #map1}]} {
    %mul3A = arith.constant 2 : i32
    %mul3A_0 = arith.muli %arg1, %mul3A : i32
    %add3A = arith.addi %mul3A_0, %arg0 : i32
    %mul3A_1 = arith.constant 640 : i32
    %mul3A_2 = arith.muli %arg1, %mul3A_1 : i32
    "tpu.region"() ({
      %run_scoped3A = tpu.sem_alloc : memref<!tpu.dma_semaphore, #tpu.memory_space<semaphore_mem>>
      %dma_start3A = arith.constant 0 : i32
      %dma_start3A_13 = tpu.memref_slice %arg10[%mul3A_2, %dma_start3A] : memref<10240x128xf32, #tpu.memory_space<vmem_shared>> -> memref<640x128xf32, #tpu.memory_space<vmem_shared>>
      tpu.enqueue_dma source(%arg5 : memref<640x128xf32, #tpu.memory_space<hbm>>) target(%dma_start3A_13 : memref<640x128xf32, #tpu.memory_space<vmem_shared>>) target_semaphore(%run_scoped3A : memref<!tpu.dma_semaphore, #tpu.memory_space<semaphore_mem>>)
      %dma_wait3A = arith.constant 0 : i32
      %dma_wait3A_14 = tpu.memref_slice %arg10[%mul3A_2, %dma_wait3A] : memref<10240x128xf32, #tpu.memory_space<vmem_shared>> -> memref<640x128xf32, #tpu.memory_space<vmem_shared>>
      tpu.wait_dma2 semaphore(%run_scoped3A : memref<!tpu.dma_semaphore, #tpu.memory_space<semaphore_mem>>) src(%arg5 : memref<640x128xf32, #tpu.memory_space<hbm>>) dst(%dma_wait3A_14 : memref<640x128xf32, #tpu.memory_space<vmem_shared>>)
      tpu.yield
    }) : () -> ()
    "tpu.region"() ({
      %run_scoped3A = tpu.sem_alloc : memref<!tpu.dma_semaphore, #tpu.memory_space<semaphore_mem>>
      %dma_start3A = arith.constant 0 : i32
      %dma_start3A_13 = arith.constant 0 : i32
      %dma_start3A_14 = tpu.memref_slice %arg3[%add3A, %dma_start3A, %dma_start3A_13] : memref<32x125x80xi32, #tpu.memory_space<hbm>> -> memref<1x125x80xi32, #tpu.memory_space<hbm>>
      %dma_start3A_15 = tpu.memref_squeeze %dma_start3A_14 : memref<1x125x80xi32, #tpu.memory_space<hbm>> -> memref<125x80xi32, #tpu.memory_space<hbm>>
      %dma_start3A_16 = arith.constant 0 : i32
      %dma_start3A_17 = arith.constant 0 : i32
      %dma_start3A_18 = tpu.memref_slice %arg3[%add3A, %dma_start3A_16, %dma_start3A_17] : memref<32x125x80xi32, #tpu.memory_space<hbm>> -> memref<1x125x80xi32, #tpu.memory_space<hbm>>
      %dma_start3A_19 = tpu.memref_squeeze %dma_start3A_18 : memref<1x125x80xi32, #tpu.memory_space<hbm>> -> memref<125x80xi32, #tpu.memory_space<hbm>>
      tpu.enqueue_dma source(%dma_start3A_19 : memref<125x80xi32, #tpu.memory_space<hbm>>) target(%arg7 : memref<125x80xi32, #tpu.memory_space<vmem>>) target_semaphore(%run_scoped3A : memref<!tpu.dma_semaphore, #tpu.memory_space<semaphore_mem>>)
      %dma_wait3A = arith.constant 0 : i32
      %dma_wait3A_20 = arith.constant 0 : i32
      %dma_wait3A_21 = tpu.memref_slice %arg3[%add3A, %dma_wait3A, %dma_wait3A_20] : memref<32x125x80xi32, #tpu.memory_space<hbm>> -> memref<1x125x80xi32, #tpu.memory_space<hbm>>
      %dma_wait3A_22 = tpu.memref_squeeze %dma_wait3A_21 : memref<1x125x80xi32, #tpu.memory_space<hbm>> -> memref<125x80xi32, #tpu.memory_space<hbm>>
      %dma_wait3A_23 = arith.constant 0 : i32
      %dma_wait3A_24 = arith.constant 0 : i32
      %dma_wait3A_25 = tpu.memref_slice %arg3[%add3A, %dma_wait3A_23, %dma_wait3A_24] : memref<32x125x80xi32, #tpu.memory_space<hbm>> -> memref<1x125x80xi32, #tpu.memory_space<hbm>>
      %dma_wait3A_26 = tpu.memref_squeeze %dma_wait3A_25 : memref<1x125x80xi32, #tpu.memory_space<hbm>> -> memref<125x80xi32, #tpu.memory_space<hbm>>
      tpu.wait_dma2 semaphore(%run_scoped3A : memref<!tpu.dma_semaphore, #tpu.memory_space<semaphore_mem>>) src(%dma_wait3A_26 : memref<125x80xi32, #tpu.memory_space<hbm>>) dst(%arg7 : memref<125x80xi32, #tpu.memory_space<vmem>>)
      tpu.yield
    }) : () -> ()
    "tpu.region"() ({
      %run_scoped3A = tpu.sem_alloc : memref<!tpu.dma_semaphore, #tpu.memory_space<semaphore_mem>>
      %dma_start3A = arith.constant 0 : i32
      %dma_start3A_13 = arith.constant 0 : i32
      %dma_start3A_14 = tpu.memref_slice %arg4[%add3A, %dma_start3A, %dma_start3A_13] : memref<32x125x80xi32, #tpu.memory_space<hbm>> -> memref<1x125x80xi32, #tpu.memory_space<hbm>>
      %dma_start3A_15 = tpu.memref_squeeze %dma_start3A_14 : memref<1x125x80xi32, #tpu.memory_space<hbm>> -> memref<125x80xi32, #tpu.memory_space<hbm>>
      %dma_start3A_16 = arith.constant 0 : i32
      %dma_start3A_17 = arith.constant 0 : i32
      %dma_start3A_18 = tpu.memref_slice %arg4[%add3A, %dma_start3A_16, %dma_start3A_17] : memref<32x125x80xi32, #tpu.memory_space<hbm>> -> memref<1x125x80xi32, #tpu.memory_space<hbm>>
      %dma_start3A_19 = tpu.memref_squeeze %dma_start3A_18 : memref<1x125x80xi32, #tpu.memory_space<hbm>> -> memref<125x80xi32, #tpu.memory_space<hbm>>
      tpu.enqueue_dma source(%dma_start3A_19 : memref<125x80xi32, #tpu.memory_space<hbm>>) target(%arg8 : memref<125x80xi32, #tpu.memory_space<vmem>>) target_semaphore(%run_scoped3A : memref<!tpu.dma_semaphore, #tpu.memory_space<semaphore_mem>>)
      %dma_wait3A = arith.constant 0 : i32
      %dma_wait3A_20 = arith.constant 0 : i32
      %dma_wait3A_21 = tpu.memref_slice %arg4[%add3A, %dma_wait3A, %dma_wait3A_20] : memref<32x125x80xi32, #tpu.memory_space<hbm>> -> memref<1x125x80xi32, #tpu.memory_space<hbm>>
      %dma_wait3A_22 = tpu.memref_squeeze %dma_wait3A_21 : memref<1x125x80xi32, #tpu.memory_space<hbm>> -> memref<125x80xi32, #tpu.memory_space<hbm>>
      %dma_wait3A_23 = arith.constant 0 : i32
      %dma_wait3A_24 = arith.constant 0 : i32
      %dma_wait3A_25 = tpu.memref_slice %arg4[%add3A, %dma_wait3A_23, %dma_wait3A_24] : memref<32x125x80xi32, #tpu.memory_space<hbm>> -> memref<1x125x80xi32, #tpu.memory_space<hbm>>
      %dma_wait3A_26 = tpu.memref_squeeze %dma_wait3A_25 : memref<1x125x80xi32, #tpu.memory_space<hbm>> -> memref<125x80xi32, #tpu.memory_space<hbm>>
      tpu.wait_dma2 semaphore(%run_scoped3A : memref<!tpu.dma_semaphore, #tpu.memory_space<semaphore_mem>>) src(%dma_wait3A_26 : memref<125x80xi32, #tpu.memory_space<hbm>>) dst(%arg8 : memref<125x80xi32, #tpu.memory_space<vmem>>)
      tpu.yield
    }) : () -> ()
    %barrier3A = arith.constant 0 : index
    tpu.barrier barrier_id(%barrier3A)
    %scan3A = arith.constant 0 : i32
    %scan3A_3 = arith.constant 0 : i32
    %scan3A_4 = arith.constant 125 : i32
    %scan3A_5 = arith.addi %scan3A_3, %scan3A_4 : i32
    %scan3A_6 = arith.constant 1 : i32
    scf.for %scan3A_13 = %scan3A_3 to %scan3A_5 step %scan3A_6  : i32 {
      %dma_start3A = arith.constant 0 : i32
      %dma_start3A_14 = tpu.memref_slice %arg7[%scan3A_13, %dma_start3A] : memref<125x80xi32, #tpu.memory_space<vmem>> -> memref<1x80xi32, #tpu.memory_space<vmem>>
      %dma_start3A_15 = tpu.memref_squeeze %dma_start3A_14 : memref<1x80xi32, #tpu.memory_space<vmem>> -> memref<80xi32, #tpu.memory_space<vmem>>
      %dma_start3A_16 = arith.constant 0 : i32
      %dma_start3A_17 = arith.constant 0 : i32
      %dma_start3A_18 = tpu.memref_slice %arg2[%dma_start3A_16, %dma_start3A_17] : memref<10000x128xf32, #tpu.memory_space<hbm>> -> memref<10000x128xf32, #tpu.memory_space<hbm>>
      tpu.enqueue_indirect_dma source(%dma_start3A_18 : memref<10000x128xf32, #tpu.memory_space<hbm>>) target(%arg9 : memref<80x128xf32, #tpu.memory_space<vmem>>) offsets(%dma_start3A_15 : memref<80xi32, #tpu.memory_space<vmem>>) semaphore(%arg11 : memref<!tpu.dma_semaphore, #tpu.memory_space<semaphore_mem>>)
      %dma_wait3A = arith.constant 0 : i32
      %dma_wait3A_19 = tpu.memref_slice %arg7[%scan3A_13, %dma_wait3A] : memref<125x80xi32, #tpu.memory_space<vmem>> -> memref<1x80xi32, #tpu.memory_space<vmem>>
      %dma_wait3A_20 = tpu.memref_squeeze %dma_wait3A_19 : memref<1x80xi32, #tpu.memory_space<vmem>> -> memref<80xi32, #tpu.memory_space<vmem>>
      %dma_wait3A_21 = arith.constant 0 : i32
      %dma_wait3A_22 = arith.constant 0 : i32
      %dma_wait3A_23 = tpu.memref_slice %arg2[%dma_wait3A_21, %dma_wait3A_22] : memref<10000x128xf32, #tpu.memory_space<hbm>> -> memref<10000x128xf32, #tpu.memory_space<hbm>>
      tpu.wait_indirect_dma semaphore(%arg11 : memref<!tpu.dma_semaphore, #tpu.memory_space<semaphore_mem>>) src(%dma_wait3A_23 : memref<10000x128xf32, #tpu.memory_space<hbm>>) dst(%arg9 : memref<80x128xf32, #tpu.memory_space<vmem>>)
      "tpu.region"() ({
        %run_scoped3A = tpu.sem_alloc : memref<!tpu.dma_semaphore, #tpu.memory_space<semaphore_mem>>
        %dma_start3A_24 = arith.constant 0 : i32
        %dma_start3A_25 = tpu.memref_slice %arg8[%scan3A_13, %dma_start3A_24] : memref<125x80xi32, #tpu.memory_space<vmem>> -> memref<1x80xi32, #tpu.memory_space<vmem>>
        %dma_start3A_26 = tpu.memref_squeeze %dma_start3A_25 : memref<1x80xi32, #tpu.memory_space<vmem>> -> memref<80xi32, #tpu.memory_space<vmem>>
        %dma_start3A_27 = arith.constant 0 : i32
        %dma_start3A_28 = arith.constant 0 : i32
        %dma_start3A_29 = tpu.memref_slice %arg10[%dma_start3A_27, %dma_start3A_28] : memref<10240x128xf32, #tpu.memory_space<vmem_shared>> -> memref<10240x128xf32, #tpu.memory_space<vmem_shared>>
        tpu.enqueue_indirect_dma source(%arg9 : memref<80x128xf32, #tpu.memory_space<vmem>>) target(%dma_start3A_29 : memref<10240x128xf32, #tpu.memory_space<vmem_shared>>) offsets(%dma_start3A_26 : memref<80xi32, #tpu.memory_space<vmem>>) semaphore(%run_scoped3A : memref<!tpu.dma_semaphore, #tpu.memory_space<semaphore_mem>>) {add = true}
        %dma_wait3A_30 = arith.constant 0 : i32
        %dma_wait3A_31 = tpu.memref_slice %arg8[%scan3A_13, %dma_wait3A_30] : memref<125x80xi32, #tpu.memory_space<vmem>> -> memref<1x80xi32, #tpu.memory_space<vmem>>
        %dma_wait3A_32 = tpu.memref_squeeze %dma_wait3A_31 : memref<1x80xi32, #tpu.memory_space<vmem>> -> memref<80xi32, #tpu.memory_space<vmem>>
        %dma_wait3A_33 = arith.constant 0 : i32
        %dma_wait3A_34 = arith.constant 0 : i32
        %dma_wait3A_35 = tpu.memref_slice %arg10[%dma_wait3A_33, %dma_wait3A_34] : memref<10240x128xf32, #tpu.memory_space<vmem_shared>> -> memref<10240x128xf32, #tpu.memory_space<vmem_shared>>
        tpu.wait_indirect_dma semaphore(%run_scoped3A : memref<!tpu.dma_semaphore, #tpu.memory_space<semaphore_mem>>) src(%arg9 : memref<80x128xf32, #tpu.memory_space<vmem>>) dst(%dma_wait3A_35 : memref<10240x128xf32, #tpu.memory_space<vmem_shared>>)
        tpu.yield
      }) : () -> ()
    }
    %scan3A_7 = arith.constant 125 : i32
    %barrier3A_8 = arith.constant 0 : index
    tpu.barrier barrier_id(%barrier3A_8)
    %mul3A_9 = arith.constant 640 : i32
    %mul3A_10 = arith.muli %arg1, %mul3A_9 : i32
    %mul3A_11 = arith.constant 640 : i32
    %mul3A_12 = arith.muli %arg1, %mul3A_11 : i32
    "tpu.region"() ({
      %run_scoped3A = tpu.sem_alloc : memref<!tpu.dma_semaphore, #tpu.memory_space<semaphore_mem>>
      %dma_start3A = arith.constant 0 : i32
      %dma_start3A_13 = tpu.memref_slice %arg6[%arg0, %mul3A_12, %dma_start3A] : memref<2x10240x128xf32, #tpu.memory_space<hbm>> -> memref<1x640x128xf32, #tpu.memory_space<hbm>>
      %dma_start3A_14 = tpu.memref_squeeze %dma_start3A_13 : memref<1x640x128xf32, #tpu.memory_space<hbm>> -> memref<640x128xf32, #tpu.memory_space<hbm>>
      %dma_start3A_15 = arith.constant 0 : i32
      %dma_start3A_16 = tpu.memref_slice %arg10[%mul3A_10, %dma_start3A_15] : memref<10240x128xf32, #tpu.memory_space<vmem_shared>> -> memref<640x128xf32, #tpu.memory_space<vmem_shared>>
      tpu.enqueue_dma source(%dma_start3A_16 : memref<640x128xf32, #tpu.memory_space<vmem_shared>>) target(%dma_start3A_14 : memref<640x128xf32, #tpu.memory_space<hbm>>) target_semaphore(%run_scoped3A : memref<!tpu.dma_semaphore, #tpu.memory_space<semaphore_mem>>)
      %dma_wait3A = arith.constant 0 : i32
      %dma_wait3A_17 = tpu.memref_slice %arg6[%arg0, %mul3A_12, %dma_wait3A] : memref<2x10240x128xf32, #tpu.memory_space<hbm>> -> memref<1x640x128xf32, #tpu.memory_space<hbm>>
      %dma_wait3A_18 = tpu.memref_squeeze %dma_wait3A_17 : memref<1x640x128xf32, #tpu.memory_space<hbm>> -> memref<640x128xf32, #tpu.memory_space<hbm>>
      %dma_wait3A_19 = arith.constant 0 : i32
      %dma_wait3A_20 = tpu.memref_slice %arg10[%mul3A_10, %dma_wait3A_19] : memref<10240x128xf32, #tpu.memory_space<vmem_shared>> -> memref<640x128xf32, #tpu.memory_space<vmem_shared>>
      tpu.wait_dma2 semaphore(%run_scoped3A : memref<!tpu.dma_semaphore, #tpu.memory_space<semaphore_mem>>) src(%dma_wait3A_20 : memref<640x128xf32, #tpu.memory_space<vmem_shared>>) dst(%dma_wait3A_18 : memref<640x128xf32, #tpu.memory_space<hbm>>)
      tpu.yield
    }) : () -> ()
    return
  }
}

module attributes {stable_mosaic.version = 14 : i64} {
  func.func @_layer_body(%arg0: memref<2x10240x128xf32, #tpu.memory_space<vmem>>, %arg1: memref<10000x128xf32, #tpu.memory_space<vmem>>, %arg2: memref<10000x128xf32, #tpu.memory_space<vmem>>, %arg3: memref<128x128xf32, #tpu.memory_space<vmem>>, %arg4: memref<1x128xf32, #tpu.memory_space<vmem>>, %arg5: memref<128x128xf32, #tpu.memory_space<vmem>>, %arg6: memref<1x128xf32, #tpu.memory_space<vmem>>, %arg7: memref<1x128xf32, #tpu.memory_space<vmem>>, %arg8: memref<10000x128xf32, #tpu.memory_space<vmem>>) attributes {dimension_semantics = [], scalar_prefetch = 0 : i64, scratch_operands = 0 : i64, tpu.core_type = #tpu.core_type<tc>} {
    %get3A = arith.constant 0 : index
    %get3A_0 = arith.constant 0 : index
    %get3A_1 = arith.constant 0 : index
    %get3A_2 = vector.load %arg0[%get3A, %get3A_0, %get3A_1] : memref<2x10240x128xf32, #tpu.memory_space<vmem>>, vector<1x10000x128xf32>
    %get3A_3 = vector.shape_cast %get3A_2 : vector<1x10000x128xf32> to vector<10000x128xf32>
    %get3A_4 = arith.constant 1 : index
    %get3A_5 = arith.constant 0 : index
    %get3A_6 = arith.constant 0 : index
    %get3A_7 = vector.load %arg0[%get3A_4, %get3A_5, %get3A_6] : memref<2x10240x128xf32, #tpu.memory_space<vmem>>, vector<1x10000x128xf32>
    %get3A_8 = vector.shape_cast %get3A_7 : vector<1x10000x128xf32> to vector<10000x128xf32>
    %add3A = arith.addf %get3A_3, %get3A_8 : vector<10000x128xf32>
    %get3A_9 = arith.constant 0 : index
    %get3A_10 = arith.constant 0 : index
    %get3A_11 = vector.load %arg1[%get3A_9, %get3A_10] : memref<10000x128xf32, #tpu.memory_space<vmem>>, vector<10000x128xf32>
    %mul3A = arith.mulf %add3A, %get3A_11 : vector<10000x128xf32>
    %get3A_12 = arith.constant 0 : index
    %get3A_13 = arith.constant 0 : index
    %get3A_14 = vector.load %arg3[%get3A_12, %get3A_13] : memref<128x128xf32, #tpu.memory_space<vmem>>, vector<128x128xf32>
    %dot_general3A = arith.constant dense<0.000000e+00> : vector<10000x128xf32>
    %dot_general3A_15 = tpu.matmul %mul3A, %get3A_14, %dot_general3A {dimension_numbers = #tpu.dot_dimension_numbers<[1], [1], [0], [0], [0, 0, 1, 0], [], []>, transpose_lhs_hint = false} : vector<10000x128xf32>, vector<128x128xf32>, vector<10000x128xf32> -> vector<10000x128xf32>
    %get3A_16 = arith.constant 0 : index
    %get3A_17 = arith.constant 0 : index
    %get3A_18 = vector.load %arg4[%get3A_16, %get3A_17] : memref<1x128xf32, #tpu.memory_space<vmem>>, vector<1x128xf32>
    %add3A_19 = vector.broadcast %get3A_18 : vector<1x128xf32> to vector<10000x128xf32>
    %add3A_20 = arith.addf %dot_general3A_15, %add3A_19 : vector<10000x128xf32>
    %get3A_21 = arith.constant 0 : index
    %get3A_22 = arith.constant 0 : index
    %get3A_23 = vector.load %arg2[%get3A_21, %get3A_22] : memref<10000x128xf32, #tpu.memory_space<vmem>>, vector<10000x128xf32>
    %get3A_24 = arith.constant 0 : index
    %get3A_25 = arith.constant 0 : index
    %get3A_26 = vector.load %arg5[%get3A_24, %get3A_25] : memref<128x128xf32, #tpu.memory_space<vmem>>, vector<128x128xf32>
    %dot_general3A_27 = arith.constant dense<0.000000e+00> : vector<10000x128xf32>
    %dot_general3A_28 = tpu.matmul %get3A_23, %get3A_26, %dot_general3A_27 {dimension_numbers = #tpu.dot_dimension_numbers<[1], [1], [0], [0], [0, 0, 1, 0], [], []>, transpose_lhs_hint = false} : vector<10000x128xf32>, vector<128x128xf32>, vector<10000x128xf32> -> vector<10000x128xf32>
    %add3A_29 = arith.addf %add3A_20, %dot_general3A_28 : vector<10000x128xf32>
    %reduce_sum3A = arith.constant dense<0.000000e+00> : vector<128xf32>
    %reduce_sum3A_30 = vector.multi_reduction <add>, %add3A_29, %reduce_sum3A [0] : vector<10000x128xf32> to vector<128xf32>
    %broadcast_in_dim3A = vector.shape_cast %reduce_sum3A_30 : vector<128xf32> to vector<1x128xf32>
    %div3A = arith.constant 1.000000e+04 : f32
    %div3A_31 = vector.broadcast %div3A : f32 to vector<1x128xf32>
    %div3A_32 = arith.divf %broadcast_in_dim3A, %div3A_31 : vector<1x128xf32>
    %sub3A = vector.broadcast %div3A_32 : vector<1x128xf32> to vector<10000x128xf32>
    %sub3A_33 = arith.subf %add3A_29, %sub3A : vector<10000x128xf32>
    %integer_pow3A = arith.mulf %sub3A_33, %sub3A_33 : vector<10000x128xf32>
    %reduce_sum3A_34 = arith.constant dense<0.000000e+00> : vector<128xf32>
    %reduce_sum3A_35 = vector.multi_reduction <add>, %integer_pow3A, %reduce_sum3A_34 [0] : vector<10000x128xf32> to vector<128xf32>
    %broadcast_in_dim3A_36 = vector.shape_cast %reduce_sum3A_35 : vector<128xf32> to vector<1x128xf32>
    %div3A_37 = arith.constant 1.000000e+04 : f32
    %div3A_38 = vector.broadcast %div3A_37 : f32 to vector<1x128xf32>
    %div3A_39 = arith.divf %broadcast_in_dim3A_36, %div3A_38 : vector<1x128xf32>
    %sub3A_40 = vector.broadcast %div3A_32 : vector<1x128xf32> to vector<10000x128xf32>
    %sub3A_41 = arith.subf %add3A_29, %sub3A_40 : vector<10000x128xf32>
    %add3A_42 = arith.constant 9.99999974E-6 : f32
    %add3A_43 = vector.broadcast %add3A_42 : f32 to vector<1x128xf32>
    %add3A_44 = arith.addf %div3A_39, %add3A_43 : vector<1x128xf32>
    %sqrt3A = math.sqrt %add3A_44 : vector<1x128xf32>
    %div3A_45 = vector.broadcast %sqrt3A : vector<1x128xf32> to vector<10000x128xf32>
    %div3A_46 = arith.divf %sub3A_41, %div3A_45 : vector<10000x128xf32>
    %get3A_47 = arith.constant 0 : index
    %get3A_48 = arith.constant 0 : index
    %get3A_49 = vector.load %arg6[%get3A_47, %get3A_48] : memref<1x128xf32, #tpu.memory_space<vmem>>, vector<1x128xf32>
    %mul3A_50 = vector.broadcast %get3A_49 : vector<1x128xf32> to vector<10000x128xf32>
    %mul3A_51 = arith.mulf %div3A_46, %mul3A_50 : vector<10000x128xf32>
    %get3A_52 = arith.constant 0 : index
    %get3A_53 = arith.constant 0 : index
    %get3A_54 = vector.load %arg7[%get3A_52, %get3A_53] : memref<1x128xf32, #tpu.memory_space<vmem>>, vector<1x128xf32>
    %add3A_55 = vector.broadcast %get3A_54 : vector<1x128xf32> to vector<10000x128xf32>
    %add3A_56 = arith.addf %mul3A_51, %add3A_55 : vector<10000x128xf32>
    %max3A = arith.constant 0.000000e+00 : f32
    %max3A_57 = vector.broadcast %max3A : f32 to vector<10000x128xf32>
    %max3A_58 = arith.maximumf %add3A_56, %max3A_57 : vector<10000x128xf32>
    %swap3A = arith.constant 0 : index
    %swap3A_59 = arith.constant 0 : index
    %swap3A_60 = vector.load %arg8[%swap3A, %swap3A_59] : memref<10000x128xf32, #tpu.memory_space<vmem>>, vector<10000x128xf32>
    tpu.vector_store %arg8[%swap3A, %swap3A_59], %max3A_58 {strides = array<i32>} : memref<10000x128xf32, #tpu.memory_space<vmem>>, vector<10000x128xf32>,
    return
  }
}

module attributes {stable_mosaic.version = 14 : i64} {
  func.func @_inv_deg_body(%arg0: memref<2x10240x128xf32, #tpu.memory_space<vmem>>, %arg1: memref<10000x128xf32, #tpu.memory_space<vmem>>) attributes {dimension_semantics = [], scalar_prefetch = 0 : i64, scratch_operands = 0 : i64, tpu.core_type = #tpu.core_type<tc>} {
    %get3A = arith.constant 0 : index
    %get3A_0 = arith.constant 0 : index
    %get3A_1 = arith.constant 0 : index
    %get3A_2 = vector.load %arg0[%get3A, %get3A_0, %get3A_1] : memref<2x10240x128xf32, #tpu.memory_space<vmem>>, vector<1x10000x128xf32>
    %get3A_3 = vector.shape_cast %get3A_2 : vector<1x10000x128xf32> to vector<10000x128xf32>
    %get3A_4 = arith.constant 1 : index
    %get3A_5 = arith.constant 0 : index
    %get3A_6 = arith.constant 0 : index
    %get3A_7 = vector.load %arg0[%get3A_4, %get3A_5, %get3A_6] : memref<2x10240x128xf32, #tpu.memory_space<vmem>>, vector<1x10000x128xf32>
    %get3A_8 = vector.shape_cast %get3A_7 : vector<1x10000x128xf32> to vector<10000x128xf32>
    %add3A = arith.addf %get3A_3, %get3A_8 : vector<10000x128xf32>
    %max3A = arith.constant 1.000000e+00 : f32
    %max3A_9 = vector.broadcast %max3A : f32 to vector<10000x128xf32>
    %max3A_10 = arith.maximumf %add3A, %max3A_9 : vector<10000x128xf32>
    %div3A = arith.constant 1.000000e+00 : f32
    %div3A_11 = vector.broadcast %div3A : f32 to vector<10000x128xf32>
    %div3A_12 = arith.divf %div3A_11, %max3A_10 : vector<10000x128xf32>
    %swap3A = arith.constant 0 : index
    %swap3A_13 = arith.constant 0 : index
    %swap3A_14 = vector.load %arg1[%swap3A, %swap3A_13] : memref<10000x128xf32, #tpu.memory_space<vmem>>, vector<10000x128xf32>
    tpu.vector_store %arg1[%swap3A, %swap3A_13], %div3A_12 {strides = array<i32>} : memref<10000x128xf32, #tpu.memory_space<vmem>>, vector<10000x128xf32>,
    return
  }
}

module attributes {stable_mosaic.version = 14 : i64} {
  func.func @_readout_body(%arg0: memref<10000x128xf32, #tpu.memory_space<vmem>>, %arg1: memref<10000x128xf32, #tpu.memory_space<vmem>>, %arg2: memref<10000x128xf32, #tpu.memory_space<vmem>>, %arg3: memref<10000x128xf32, #tpu.memory_space<vmem>>, %arg4: memref<256x128xf32, #tpu.memory_space<vmem>>, %arg5: memref<1x256xf32, #tpu.memory_space<vmem>>, %arg6: memref<128x256xf32, #tpu.memory_space<vmem>>, %arg7: memref<1x128xf32, #tpu.memory_space<vmem>>, %arg8: memref<1x128xf32, #tpu.memory_space<vmem>>, %arg9: memref<1x1xf32, #tpu.memory_space<vmem>>, %arg10: memref<1x1xf32, #tpu.memory_space<vmem>>) attributes {dimension_semantics = [], scalar_prefetch = 0 : i64, scratch_operands = 0 : i64, tpu.core_type = #tpu.core_type<tc>} {
    %get3A = arith.constant 0 : index
    %get3A_0 = arith.constant 0 : index
    %get3A_1 = vector.load %arg0[%get3A, %get3A_0] : memref<10000x128xf32, #tpu.memory_space<vmem>>, vector<10000x128xf32>
    %get3A_2 = arith.constant 0 : index
    %get3A_3 = arith.constant 0 : index
    %get3A_4 = vector.load %arg1[%get3A_2, %get3A_3] : memref<10000x128xf32, #tpu.memory_space<vmem>>, vector<10000x128xf32>
    %add3A = arith.addf %get3A_1, %get3A_4 : vector<10000x128xf32>
    %get3A_5 = arith.constant 0 : index
    %get3A_6 = arith.constant 0 : index
    %get3A_7 = vector.load %arg2[%get3A_5, %get3A_6] : memref<10000x128xf32, #tpu.memory_space<vmem>>, vector<10000x128xf32>
    %add3A_8 = arith.addf %add3A, %get3A_7 : vector<10000x128xf32>
    %get3A_9 = arith.constant 0 : index
    %get3A_10 = arith.constant 0 : index
    %get3A_11 = vector.load %arg3[%get3A_9, %get3A_10] : memref<10000x128xf32, #tpu.memory_space<vmem>>, vector<10000x128xf32>
    %add3A_12 = arith.addf %add3A_8, %get3A_11 : vector<10000x128xf32>
    %reduce_sum3A = arith.constant dense<0.000000e+00> : vector<128xf32>
    %reduce_sum3A_13 = vector.multi_reduction <add>, %add3A_12, %reduce_sum3A [0] : vector<10000x128xf32> to vector<128xf32>
    %broadcast_in_dim3A = vector.shape_cast %reduce_sum3A_13 : vector<128xf32> to vector<1x128xf32>
    %get3A_14 = arith.constant 0 : index
    %get3A_15 = arith.constant 0 : index
    %get3A_16 = vector.load %arg4[%get3A_14, %get3A_15] : memref<256x128xf32, #tpu.memory_space<vmem>>, vector<256x128xf32>
    %dot_general3A = arith.constant dense<0.000000e+00> : vector<1x256xf32>
    %dot_general3A_17 = tpu.matmul %broadcast_in_dim3A, %get3A_16, %dot_general3A {dimension_numbers = #tpu.dot_dimension_numbers<[1], [1], [0], [0], [0, 0, 1, 0], [], []>, transpose_lhs_hint = false} : vector<1x128xf32>, vector<256x128xf32>, vector<1x256xf32> -> vector<1x256xf32>
    %get3A_18 = arith.constant 0 : index
    %get3A_19 = arith.constant 0 : index
    %get3A_20 = vector.load %arg5[%get3A_18, %get3A_19] : memref<1x256xf32, #tpu.memory_space<vmem>>, vector<1x256xf32>
    %add3A_21 = arith.addf %dot_general3A_17, %get3A_20 : vector<1x256xf32>
    %max3A = arith.constant 0.000000e+00 : f32
    %max3A_22 = vector.broadcast %max3A : f32 to vector<1x256xf32>
    %max3A_23 = arith.maximumf %add3A_21, %max3A_22 : vector<1x256xf32>
    %get3A_24 = arith.constant 0 : index
    %get3A_25 = arith.constant 0 : index
    %get3A_26 = vector.load %arg6[%get3A_24, %get3A_25] : memref<128x256xf32, #tpu.memory_space<vmem>>, vector<128x256xf32>
    %dot_general3A_27 = arith.constant dense<0.000000e+00> : vector<1x128xf32>
    %dot_general3A_28 = tpu.matmul %max3A_23, %get3A_26, %dot_general3A_27 {dimension_numbers = #tpu.dot_dimension_numbers<[1], [1], [0], [0], [0, 0, 1, 0], [], []>, transpose_lhs_hint = false} : vector<1x256xf32>, vector<128x256xf32>, vector<1x128xf32> -> vector<1x128xf32>
    %get3A_29 = arith.constant 0 : index
    %get3A_30 = arith.constant 0 : index
    %get3A_31 = vector.load %arg7[%get3A_29, %get3A_30] : memref<1x128xf32, #tpu.memory_space<vmem>>, vector<1x128xf32>
    %add3A_32 = arith.addf %dot_general3A_28, %get3A_31 : vector<1x128xf32>
    %max3A_33 = arith.constant 0.000000e+00 : f32
    %max3A_34 = vector.broadcast %max3A_33 : f32 to vector<1x128xf32>
    %max3A_35 = arith.maximumf %add3A_32, %max3A_34 : vector<1x128xf32>
    %get3A_36 = arith.constant 0 : index
    %get3A_37 = arith.constant 0 : index
    %get3A_38 = vector.load %arg8[%get3A_36, %get3A_37] : memref<1x128xf32, #tpu.memory_space<vmem>>, vector<1x128xf32>
    %mul3A = arith.mulf %max3A_35, %get3A_38 : vector<1x128xf32>
    %reduce_sum3A_39 = arith.constant dense<0.000000e+00> : vector<1xf32>
    %reduce_sum3A_40 = vector.multi_reduction <add>, %mul3A, %reduce_sum3A_39 [1] : vector<1x128xf32> to vector<1xf32>
    %broadcast_in_dim3A_41 = vector.shape_cast %reduce_sum3A_40 : vector<1xf32> to vector<1x1xf32>
    %get3A_42 = arith.constant 0 : index
    %get3A_43 = arith.constant 0 : index
    %get3A_44 = vector.load %arg9[%get3A_42, %get3A_43] : memref<1x1xf32, #tpu.memory_space<vmem>>, vector<1x1xf32>
    %add3A_45 = arith.addf %broadcast_in_dim3A_41, %get3A_44 : vector<1x1xf32>
    %swap3A = arith.constant 0 : index
    %swap3A_46 = arith.constant 0 : index
    %swap3A_47 = vector.load %arg10[%swap3A, %swap3A_46] : memref<1x1xf32, #tpu.memory_space<vmem>>, vector<1x1xf32>
    tpu.vector_store %arg10[%swap3A, %swap3A_46], %add3A_45 {strides = array<i32>} : memref<1x1xf32, #tpu.memory_space<vmem>>, vector<1x1xf32>,
    return
  }
}

</mosaic_0001>

<sc_bundles>
// kernel: kernel.11.cloned.1.call-start
scs
__scs_entry_jumppad:
0x0: {  	(pc) =	sbr.rel $0x88, $3  }
0x1: {  	(tag) =	ssettag $0x0;
	lr =	simm.s32 $0x1  }
0x2: {  	[smem:$0x3F94] =	sst lr;
	_ =	strace $0xD0000000  }
0x3: {  	_ = 	snop  }
0x4: {  	_ = 	snop  }
0x5: {  	_ = 	snop  }
0x6: {  	_ = 	snop  }
0x7: {  	_ = 	snop  }
__scs_overlays_trampoline_lowered:
0x8: {  	[smem:$0x3FA3] =	sst s0  }
0x9: {  	[smem:$0x3FA4] =	sst s1  }
0xa: {  	[smem:$0x3FA5] =	sst s2  }
0xb: {  	[smem:$0x3FA6] =	sst s3  }
0xc: {  	[smem:$0x3FA7] =	sst s4  }
0xd: {  	[smem:$0x3FA8] =	sst s5  }
0xe: {  	[smem:$0x3FA9] =	sst s6  }
0xf: {  	[smem:$0x3FAA] =	sst s7  }
0x10: {  	[smem:$0x3FAB] =	sst s8  }
0x11: {  	[smem:$0x3FAC] =	sst s9;
	s0 =	simm.s32 @!p0 $0x0  }
0x12: {  	s1 =	sld [smem:$0x3F92];
	s0 =	simm.s32 @p0 $0x1  }
0x13: {  	[smem:$0x3FAD] =	sst s0;
	s0 =	simm.s32 @!p1 $0x0  }
0x14: {  	s2 =	sld [smem:$0x3F91];
	s0 =	simm.s32 @p1 $0x1  }
0x15: {  	[smem:$0x3FAE] =	sst s0;
	s0 =	simm.s32 @!p2 $0x0  }
0x16: {  	s3 =	sld [smem:$0x3FDB];
	s0 =	simm.s32 @p2 $0x1  }
0x17: {  	s4 =	simm.s32 $0x1BF5;
	[smem:$0x3FB0] =	sst s0  }
0x18: {  	s0 =	sld [smem:$0x3F93];
	_ =	swait.ge [sflag:s4], $0x0  }
0x19: {  	s7 =	sld [smem:$0x3F94]  }
0x1a: {  	s8 =	sadd.s32 $0xFFFFE003, lr  }
0x1b: {  	s9 =	sadd.s32 $0xFFFFFEF7, lr;
	s5 =	simm.s32 $0xFFFFFFFF;
	p2 =	slt.u32 s8, $0xFFFFF086  }
0x1c: {  	p1 =	slt.u32 s9, $0xF7A;
	s5 =	simm.s32 @!p2 $0x0  }
0x1d: {  	s5 =	simm.s32 @p1 $0x1;
	p0 =	seq.s32 s7, s2  }
0x1e: {  	s7 =	smul.u32 @!p0 $0xF7A, s2;
	p2 =	seq.s32 @!p0 s5, $0x0  }
0x1f: {  	s9 =	smul.u32 $0xF7A, s1;
	s8 =	simm.s32 @!p0 $0x1BF5;
	p2 =	por !p2, p0  }
0x20: {  	[sflag:s8] =	ssyncset.s32 @!p0 $0xFFFFF086;
	s6 =	sadd.s32 @!p0 s3, s7;
	s7 =	simm.s32 @!p0 $0x108  }
0x21: {  	s3 =	sadd.s32 s3, s9;
	s6 =	sadd.s32 @!p0 $0x88, s6;
	s7 =	simm.s32 @p2 $0x1082  }
0x22: {  	[simem:s7], [sflag:s8] =	dma.local @!p0 [hbm:s6], $0xF7A  }
0x23: {  	s9 =	sor.u32 $0xD0000000, s2;
	s6 =	simm.s32 $0x108;
	_ =	swait.ge @!p0 [sflag:s8], $0x0  }
0x24: {  	s3 =	sadd.s32 $0x88, s3;
	s6 =	simm.s32 @!p1 $0x1082;
	[sflag:s4] =	ssyncset.s32 $0xFFFFF086  }
0x25: {  	[simem:s6], [sflag:s4] =	dma.local [hbm:s3], $0xF7A  }
0x26: {  	[smem:$0x3F94] =	sst s1;
	(tag) =	ssettag s2;
	_ =	strace s9  }
0x27: {  	s1 =	sld [smem:$0x3FA4]  }
0x28: {  	s2 =	sld [smem:$0x3FA5]  }
0x29: {  	s4 =	sld [smem:$0x3FA7]  }
0x2a: {  	p0 =	seq.s32 s5, $0x0;
	s5 =	sld [smem:$0x3FA8]  }
0x2b: {  	s6 =	sld [smem:$0x3FA9]  }
0x2c: {  	s7 =	sld [smem:$0x3FAA]  }
0x2d: {  	s3 =	simm.s32 $0x108;
	s8 =	sld [smem:$0x3FAB]  }
0x2e: {  	s3 =	simm.s32 @!p0 $0x1082;
	s9 =	sld [smem:$0x3FAC]  }
0x2f: {  	lr =	sadd.s32 s0, s3;
	s0 =	sld [smem:$0x3FA3]  }
0x30: {  	s3 =	sld [smem:$0x3FA6]  }
0x31: {  	[smem:$0x3FAF] =	sst s10  }
0x32: {  	s10 =	sld [smem:$0x3FAD];
	_ =	sdelay $0x3  }
0x33: {  	p0 =	seq.s32 s10, $0x1;
	s10 =	sld [smem:$0x3FAF];
	_ =	sdelay $0x3  }
0x34: {  	[smem:$0x3FAF] =	sst s10  }
0x35: {  	s10 =	sld [smem:$0x3FAE];
	_ =	sdelay $0x3  }
0x36: {  	p1 =	seq.s32 s10, $0x1;
	s10 =	sld [smem:$0x3FAF];
	_ =	sdelay $0x3  }
0x37: {  	[smem:$0x3FAF] =	sst s10  }
0x38: {  	s10 =	sld [smem:$0x3FB0]  }
0x39: {  	_ = 	snop;
	(pc) =	sbr.ind lr, $3  }
0x3a: {  	_ = 	snop  }
0x3b: {  	_ = 	snop  }
0x3c: {  	p2 =	seq.s32 s10, $0x1;
	s10 =	sld [smem:$0x3FAF]  }
0x3d: {  	_ =	shalt  }
0x3e: {  	_ =	shalt  }
0x3f: {  	_ =	shalt  }
0x40: {  	_ =	shalt  }
0x41: {  	_ =	shalt  }
0x42: {  	_ =	shalt  }
0x43: {  	_ =	shalt  }
0x44: {  	_ =	shalt  }
0x45: {  	_ =	shalt  }
0x46: {  	_ =	shalt  }
0x47: {  	_ =	shalt  }
0x48: {  	_ =	shalt  }
0x49: {  	_ =	shalt  }
0x4a: {  	_ =	shalt  }
0x4b: {  	_ =	shalt  }
0x4c: {  	_ =	shalt  }
0x4d: {  	_ =	shalt  }
0x4e: {  	_ =	shalt  }
0x4f: {  	_ =	shalt  }
0x50: {  	_ =	shalt  }
0x51: {  	_ =	shalt  }
0x52: {  	_ =	shalt  }
0x53: {  	_ =	shalt  }
0x54: {  	_ =	shalt  }
0x55: {  	_ =	shalt  }
0x56: {  	_ =	shalt  }
0x57: {  	_ =	shalt  }
0x58: {  	_ =	shalt  }
0x59: {  	_ =	shalt  }
0x5a: {  	_ =	shalt  }
0x5b: {  	_ =	shalt  }
0x5c: {  	_ =	shalt  }
0x5d: {  	_ =	shalt  }
0x5e: {  	_ =	shalt  }
0x5f: {  	_ =	shalt  }
0x60: {  	_ =	shalt  }
0x61: {  	_ =	shalt  }
0x62: {  	_ =	shalt  }
0x63: {  	_ =	shalt  }
0x64: {  	_ =	shalt  }
0x65: {  	_ =	shalt  }
0x66: {  	_ =	shalt  }
0x67: {  	_ =	shalt  }
0x68: {  	_ =	shalt  }
0x69: {  	_ =	shalt  }
0x6a: {  	_ =	shalt  }
0x6b: {  	_ =	shalt  }
0x6c: {  	_ =	shalt  }
0x6d: {  	_ =	shalt  }
0x6e: {  	_ =	shalt  }
0x6f: {  	_ =	shalt  }
0x70: {  	_ =	shalt  }
0x71: {  	_ =	shalt  }
0x72: {  	_ =	shalt  }
0x73: {  	_ =	shalt  }
0x74: {  	_ =	shalt  }
0x75: {  	_ =	shalt  }
0x76: {  	_ =	shalt  }
0x77: {  	_ =	shalt  }
0x78: {  	_ =	shalt  }
0x79: {  	_ =	shalt  }
0x7a: {  	_ =	shalt  }
0x7b: {  	_ =	shalt  }
0x7c: {  	_ =	shalt  }
0x7d: {  	_ =	shalt  }
0x7e: {  	_ =	shalt  }
0x7f: {  	_ =	shalt  }
0x80: {  	_ =	shalt  }
0x81: {  	_ =	shalt  }
0x82: {  	_ =	shalt  }
0x83: {  	_ =	shalt  }
0x84: {  	_ =	shalt  }
0x85: {  	_ =	shalt  }
0x86: {  	_ =	shalt  }
0x87: {  	_ =	shalt  }
.Lfunc_end0:
.L_simem_size_0:
called_computation_lowered:
.L_overlay_start_0:
0x88: {  	s2 =	sld [smem:$0x3FD9]  }
0x89: {  	s3 =	sld [smem:$0x3FFE];
	_ =	sdelay $0x1  }
0x8a: {  	s1 =	srdreg.scid  }
0x8b: {  	s0 =	sand.u32 $0x1, s1  }
0x8c: {  	s16 =	sshll.u32 s0, $0xA;
	s2 =	sadd.s32 s3, s2  }
0x8d: {  	s2 =	sadd.s32 s2, s16  }
0x8e: {  	[smem:$0x3FBB] =	sst s2  }
0x8f: {  	_ = 	snop  }
0x90: {  	(tm) =	ssettm $0x1  }
0x91: {  	s17 =	sld [smem:$0x3FFB];
	_ =	sdelay $0x3  }
0x92: {  	_ =	strace s17  }
0x93: {  	s2 =	sld [smem:$0x3FFC];
	_ =	sdelay $0x3  }
0x94: {  	_ =	strace s2  }
0x95: {  	s2 =	sld [smem:$0x3FFD];
	_ =	sdelay $0x3  }
0x96: {  	_ =	strace s2  }
0x97: {  	_ =	strace $0x8FFFFFFF  }
0x98: {  	s18 =	sld [smem:$0x3FDB];
	_ =	sdelay $0x1  }
0x99: {  	s19 =	simm.s32 $_scs_section_size  }
0x9a: {  	s4 =	simm.s32 $_size__tile_overlayer_lowered;
	s5 =	simm.s32 $_tile_overlayer_lowered  }
0x9b: {  	s22 =	simm.s32 $0x1BFF;
	s21 =	sshll.u32 s5, $0x1;
	s2 =	sadd.s32 s19, s18  }
0x9c: {  	s6 =	simm.s32 $0x0;
	s20 =	sshll.u32 s4, $0x1;
	s4 =	sadd.s32 s21, s2  }
0x9d: {  	[timem:s6], [sflag:s22] =	dma.local [hbm:s4], s20  }
0x9e: {  	_ =	swait.ge [sflag:s22], s20  }
0x9f: {  	s3 =	ssub.s32 $0x0, s20;
	[sflag:s22] =	ssyncset.done $0x0  }
0xa0: {  	[sflag:s22] =	ssyncadd.s32 s3;
	_ =	sdelay $0x1  }
0xa1: {  	s23 =	simm.s32 $0x1B8B  }
0xa2: {  	_ =	swait.ge [sflag:s23], $0x1  }
0xa3: {  	[sflag:s23] =	ssyncset.done $0x0  }
0xa4: {  	s25 =	simm.s32 $0x1B8E;
	s24 =	sld [smem:$0x3FFE];
	[sflag:s23] =	ssyncadd.s32 $0xFFFFFFFF  }
0xa5: {  	s26 =	simm.s32 $execute0_lowered;
	[smem:$0x3FD2] =	sst s25  }
0xa6: {  	s4 =	sshll.u32 s26, $0x1;
	_ =	strace $0x80000046;
	[dreg:$0x1] =	wrdreg $0xFFFFFFFF  }
0xa7: {  	s28 =	simm.s32 $_size_execute0_lowered;
	s2 =	sadd.s32 s2, s4;
	[dreg:$0x0] =	wrdreg $0x0  }
0xa8: {  	s4 =	sshll.u32 s28, $0x1;
	[dreg:$0x2] =	wrdreg s2  }
0xa9: {  	[dreg:$0x3] =	wrdreg s4  }
0xaa: {  	[dreg:$0x4] =	wrdreg $0xC0  }
0xab: {  	_ =	task [dreg:s6], $0x5FFFF  }
0xac: {  	[dreg:$0x1] =	wrdreg $0xFFFFFFFF  }
0xad: {  	[dreg:$0x0] =	wrdreg $0x60  }
0xae: {  	[dreg:$0x2] =	wrdreg s24  }
0xaf: {  	[dreg:$0x3] =	wrdreg $0x68000  }
0xb0: {  	[dreg:$0x4] =	wrdreg $0x9  }
0xb1: {  	_ =	task.clear_ibuf [dreg:s6], $0x5FFFF;
	_ =	strace $0x90000046  }
0xb2: {  	s29 =	simm.s32 $0x9;
	_ =	strace $0x80000048  }
0xb3: {  	_ =	swait.ge [sflag:s29], $0x1  }
0xb4: {  	[sflag:s29] =	ssyncadd.s32 $0xFFFFFFFF  }
0xb5: {  	_ =	strace $0x90000048  }
0xb6: {  	_ =	sfence  }
0xb7: {  	s30 =	sld [smem:$0x0];
	_ =	sdelay $0x2  }
0xb8: {  	s31 =	sshll.u32 s1, $0xD;
	s1 =	sshrl.u32 s1, $0x2  }
0xb9: {  	s3 =	sand.u32 $0x4000, s31;
	s1 =	sadd.s32 s1, s30  }
0xba: {  	s0 =	sor.u32 s3, s0;
	s1 =	sshll.u32 s1, $0x11  }
0xbb: {  	s0 =	sor.u32 s1, s0  }
0xbc: {  	s0 =	sadd.s32 $0x8F2B, s0  }
0xbd: {  	[sflag:s0] =	ssyncadd.remote.s32 $0x1  }
0xbe: {  	_ =	sfence.sel $0xFFFF  }
0xbf: {  	[dreg:$0x0] =	wrdreg $0xFFFFFFFF;
	(pc) =	sbr.abs _section_cstart, $3  }
0xc0: {  	[dreg:$0x1] =	wrdreg $0xFFFFFFFF  }
0xc1: {  	_ =	task.clear_ibuf [dreg:s6], $0x2FFFF;
	_ =	strace $0x9FFFFFFF  }
0xc2: {  	(tm) =	ssettm $0x7FFFFFFF  }
0xc3: {  	_ =	shalt  }
tec
execute0_lowered:
.L_overlay_start_1:
0x0: {  	(tag) =	ssettag $0x1  }
0x1: {  	s6 =	rddreg [dreg:$0x0]  }
0x2: {  	s1 =	rddreg [dreg:$0x1];
	s2 =	srdreg.scid  }
0x3: {  	s0 =	rddreg [dreg:$0x2];
	s3 =	simm.s32 $0x0;
	s5 =	sand.u32 $0x1, s2  }
0x4: {  	s13 =	simm.s32 $0x50;
	s2 =	stileid.u32;
	s7 =	smul.u32 $0x140000, s5  }
0x5: {  	s14 =	simm.s32 $0x0;
	[smem:$0x7FF] =	sst s3;
	s8 =	smul.u32 $0x14000, s2  }
0x6: {  	_ =	strace $0x80000047;
	s4 =	sshll.u32 s5, $0xB;
	s26 =	ssub.s32 $0x2, s5  }
0x7: {  	s10 =	smul.u32 $0x50000, s2;
	s5 =	sadd.s32 $0x16E00, s6;
	s30 =	sshll.u32 s2, $0xC  }
0x8: {  	s31 =	sshll.u32 s2, $0x6;
	s9 =	sadd.s32 s4, s6;
	s4 =	sadd.s32 $0x14600, s6  }
0x9: {  	s28 =	sshrl.u32 s26, $0x1;
	s7 =	sadd.s32 s8, s7;
	s29 =	sshrl.u32 s10, $0x2  }
0xa: {  	s12 =	ssub.s32 s26, s28;
	s7 =	sshrl.u32 s7, $0x3;
	s10 =	sadd.s32 s29, s1  }
0xb: {  	s11 =	sadd.s32 s7, s6;
	s7 =	sadd.s32 s30, s9;
	s6 =	sor.u32 $0x1C01, s31  }
0xc: {  	s9 =	smax.u32 s12, $0x1;
	s10 =	sshrl.u32 s10, $0x3;
	s12 =	simm.s32 $0x4000  }
0xd: {  	s7 =	sadd.s32 $0x4600, s7;
	s8 =	sadd.s32 $0x17400, s11;
	s11 =	simm.s32 $0x1  }
.LBB2_1:
0xe: {  	[spmem:s10], [sflag:s6] =	dma.local [hbm:s4], $0x2800  }
0xf: {  	_ =	swait.ge [sflag:s11], $0x2800  }
0x10: {  	[sflag:s11] =	ssyncset.done $0x0  }
0x11: {  	[sflag:s11] =	ssyncadd.s32 $0xFFFFD800  }
0x12: {  	[tilespmem:s12], [sflag:$0x1] =	stream.linear.gather [hbm4b:s5+s3], $0x2800, $0x38;
	[tilespmem:$0x1A800] =	vst v63  }
0x13: {  	_ =	swait.ge [sflag:s11], $0x2800  }
0x14: {  	[sflag:s11] =	ssyncset.done $0x0  }
0x15: {  	[sflag:s11] =	ssyncadd.s32 $0xFFFFD800  }
0x16: {  	[tilespmem:s3], [sflag:$0x1] =	stream.linear.gather [hbm4b:s7+s3], $0x3E80, $0x38;
	[tilespmem:$0x1A800] =	vst v63  }
0x17: {  	_ =	swait.ge [sflag:s11], $0x3E80  }
0x18: {  	[sflag:s11] =	ssyncset.done $0x0  }
0x19: {  	[sflag:s11] =	ssyncadd.s32 $0xFFFFC180  }
0x1a: {  	s15 =	simm.s32 $0x0;
	[bflag:$0x0] =	sbarrier.arrive $0xFFFF  }
0x1b: {  	[spmem:s1] =	stream.indirect.scatter.add.f32 [tilespmem:s12], [sflag:$0x1], $0x80, s15, s13, $0xb8;
	[tilespmem:$0x1A800] =	vst v63  }
0x1c: {  	_ =	swait.ge [sflag:s11], $0x2800  }
0x1d: {  	s15 =	simm.s32 $0x200;
	[sflag:s11] =	ssyncset.done $0x0  }
.LBB2_2:
0x1e: {  	s16 =	sshra.s32 s15, $0x2;
	[sflag:s11] =	ssyncadd.s32 $0xFFFFD800;
	p0 =	sne.s32 s15, $0xF800  }
0x1f: {  	[spmem:s1] =	stream.indirect.scatter.add.f32 [tilespmem:s12], [sflag:$0x1], $0x80, s16, s13, $0xb8;
	[tilespmem:$0x1A800] =	vst v63  }
.Ltmp0:
0x20: {  	_ = 	snop;
	(pc) =	sbr.rel @p0 .LBB2_2-.Ltmp0, $4  }
0x21: {  	_ = 	snop  }
0x22: {  	s15 =	sadd.s32 $0x200, s15  }
0x23: {  	_ =	swait.ge [sflag:s11], $0x2800  }
0x24: {  	[sflag:s11] =	ssyncset.done $0x0  }
0x25: {  	s14 =	sadd.s32 $0x1, s14  }
0x26: {  	[sflag:s11] =	ssyncadd.s32 $0xFFFFD800;
	p0 =	sne.s32 s14, s9  }
.Ltmp1:
0x27: {  	[bflag:$0x0] =	sbarrier.arrive $0xFFFF;
	(pc) =	sbr.rel @p0 .LBB2_1-.Ltmp1, $4  }
0x28: {  	[hbm:s8], [sflag:s6] =	dma.local [spmem:s10], $0x2800  }
0x29: {  	_ =	swait.ge [sflag:s11], $0x2800  }
0x2a: {  	[sflag:s11] =	ssyncset.done $0x0  }
0x2b: {  	[sflag:s11] =	ssyncadd.s32 $0xFFFFD800  }
0x2c: {  	_ =	sfence.sel $0x180000  }
0x2d: {  	[bflag:$0x0] =	sbarrier.arrive $0xFFFF  }
0x2e: {  	p0 =	sne.s32 s2, $0x0;
	_ =	strace $0x90000047  }
0x2f: {  	s0 =	sadd.s32 @!p0 $0x100000, s0;
	[bflag:$0x2] =	sbarrier.arrive $0xFFFF  }
0x30: {  	[sflag:s0] =	ssyncadd.tile.s32 @!p0 $0x1;
	_ =	shalt  }
.Lfunc_end2:
_tile_overlayer_lowered:
.L_overlay_start_2:
0x31: {  	(tag) =	ssettag $0x2  }
0x32: {  	s0 =	rddreg [dreg:$0x0];
	s2 =	stileid.u32  }
0x33: {  	s1 =	rddreg [dreg:$0x1];
	p0 =	sne.s32 s2, $0x0  }
0x34: {  	s3 =	rddreg [dreg:$0x2];
	[bflag:$0x3] =	sbarrier.arrive $0xFFFF;
	s2 =	simm.s32 @!p0 $0x1C01  }
0x35: {  	[timem:s3], [sflag:s2] =	dma.local @!p0 [hbm:s0], s1  }
0x36: {  	s0 =	simm.s32 @!p0 $0x1  }
0x37: {  	_ =	swait.ge @!p0 [sflag:s0], s1  }
0x38: {  	s1 =	ssub.s32 @!p0 $0x0, s1;
	[sflag:s0] =	ssyncset.done @!p0 $0x0  }
0x39: {  	[sflag:s0] =	ssyncadd.s32 @!p0 s1  }
0x3a: {  	[bflag:$0x3] =	sbarrier.arrive $0xFFFF  }
0x3b: {  	_ =	shalt  }

// kernel: kernel.14.cloned.1.call-start
scs
__scs_entry_jumppad:
0x0: {  	(pc) =	sbr.rel $0x88, $3  }
0x1: {  	(tag) =	ssettag $0x0;
	lr =	simm.s32 $0x1  }
0x2: {  	[smem:$0x3F94] =	sst lr;
	_ =	strace $0xD0000000  }
0x3: {  	_ = 	snop  }
0x4: {  	_ = 	snop  }
0x5: {  	_ = 	snop  }
0x6: {  	_ = 	snop  }
0x7: {  	_ = 	snop  }
__scs_overlays_trampoline_lowered:
0x8: {  	[smem:$0x3FA3] =	sst s0  }
0x9: {  	[smem:$0x3FA4] =	sst s1  }
0xa: {  	[smem:$0x3FA5] =	sst s2  }
0xb: {  	[smem:$0x3FA6] =	sst s3  }
0xc: {  	[smem:$0x3FA7] =	sst s4  }
0xd: {  	[smem:$0x3FA8] =	sst s5  }
0xe: {  	[smem:$0x3FA9] =	sst s6  }
0xf: {  	[smem:$0x3FAA] =	sst s7  }
0x10: {  	[smem:$0x3FAB] =	sst s8  }
0x11: {  	[smem:$0x3FAC] =	sst s9;
	s0 =	simm.s32 @!p0 $0x0  }
0x12: {  	s1 =	sld [smem:$0x3F92];
	s0 =	simm.s32 @p0 $0x1  }
0x13: {  	[smem:$0x3FAD] =	sst s0;
	s0 =	simm.s32 @!p1 $0x0  }
0x14: {  	s2 =	sld [smem:$0x3F91];
	s0 =	simm.s32 @p1 $0x1  }
0x15: {  	[smem:$0x3FAE] =	sst s0;
	s0 =	simm.s32 @!p2 $0x0  }
0x16: {  	s3 =	sld [smem:$0x3FDB];
	s0 =	simm.s32 @p2 $0x1  }
0x17: {  	s4 =	simm.s32 $0x1BF5;
	[smem:$0x3FB0] =	sst s0  }
0x18: {  	s0 =	sld [smem:$0x3F93];
	_ =	swait.ge [sflag:s4], $0x0  }
0x19: {  	s7 =	sld [smem:$0x3F94]  }
0x1a: {  	s8 =	sadd.s32 $0xFFFFE003, lr  }
0x1b: {  	s9 =	sadd.s32 $0xFFFFFEF7, lr;
	s5 =	simm.s32 $0xFFFFFFFF;
	p2 =	slt.u32 s8, $0xFFFFF086  }
0x1c: {  	p1 =	slt.u32 s9, $0xF7A;
	s5 =	simm.s32 @!p2 $0x0  }
0x1d: {  	s5 =	simm.s32 @p1 $0x1;
	p0 =	seq.s32 s7, s2  }
0x1e: {  	s7 =	smul.u32 @!p0 $0xF7A, s2;
	p2 =	seq.s32 @!p0 s5, $0x0  }
0x1f: {  	s9 =	smul.u32 $0xF7A, s1;
	s8 =	simm.s32 @!p0 $0x1BF5;
	p2 =	por !p2, p0  }
0x20: {  	[sflag:s8] =	ssyncset.s32 @!p0 $0xFFFFF086;
	s6 =	sadd.s32 @!p0 s3, s7;
	s7 =	simm.s32 @!p0 $0x108  }
0x21: {  	s3 =	sadd.s32 s3, s9;
	s6 =	sadd.s32 @!p0 $0x88, s6;
	s7 =	simm.s32 @p2 $0x1082  }
0x22: {  	[simem:s7], [sflag:s8] =	dma.local @!p0 [hbm:s6], $0xF7A  }
0x23: {  	s9 =	sor.u32 $0xD0000000, s2;
	s6 =	simm.s32 $0x108;
	_ =	swait.ge @!p0 [sflag:s8], $0x0  }
0x24: {  	s3 =	sadd.s32 $0x88, s3;
	s6 =	simm.s32 @!p1 $0x1082;
	[sflag:s4] =	ssyncset.s32 $0xFFFFF086  }
0x25: {  	[simem:s6], [sflag:s4] =	dma.local [hbm:s3], $0xF7A  }
0x26: {  	[smem:$0x3F94] =	sst s1;
	(tag) =	ssettag s2;
	_ =	strace s9  }
0x27: {  	s1 =	sld [smem:$0x3FA4]  }
0x28: {  	s2 =	sld [smem:$0x3FA5]  }
0x29: {  	s4 =	sld [smem:$0x3FA7]  }
0x2a: {  	p0 =	seq.s32 s5, $0x0;
	s5 =	sld [smem:$0x3FA8]  }
0x2b: {  	s6 =	sld [smem:$0x3FA9]  }
0x2c: {  	s7 =	sld [smem:$0x3FAA]  }
0x2d: {  	s3 =	simm.s32 $0x108;
	s8 =	sld [smem:$0x3FAB]  }
0x2e: {  	s3 =	simm.s32 @!p0 $0x1082;
	s9 =	sld [smem:$0x3FAC]  }
0x2f: {  	lr =	sadd.s32 s0, s3;
	s0 =	sld [smem:$0x3FA3]  }
0x30: {  	s3 =	sld [smem:$0x3FA6]  }
0x31: {  	[smem:$0x3FAF] =	sst s10  }
0x32: {  	s10 =	sld [smem:$0x3FAD];
	_ =	sdelay $0x3  }
0x33: {  	p0 =	seq.s32 s10, $0x1;
	s10 =	sld [smem:$0x3FAF];
	_ =	sdelay $0x3  }
0x34: {  	[smem:$0x3FAF] =	sst s10  }
0x35: {  	s10 =	sld [smem:$0x3FAE];
	_ =	sdelay $0x3  }
0x36: {  	p1 =	seq.s32 s10, $0x1;
	s10 =	sld [smem:$0x3FAF];
	_ =	sdelay $0x3  }
0x37: {  	[smem:$0x3FAF] =	sst s10  }
0x38: {  	s10 =	sld [smem:$0x3FB0]  }
0x39: {  	_ = 	snop;
	(pc) =	sbr.ind lr, $3  }
0x3a: {  	_ = 	snop  }
0x3b: {  	_ = 	snop  }
0x3c: {  	p2 =	seq.s32 s10, $0x1;
	s10 =	sld [smem:$0x3FAF]  }
0x3d: {  	_ =	shalt  }
0x3e: {  	_ =	shalt  }
0x3f: {  	_ =	shalt  }
0x40: {  	_ =	shalt  }
0x41: {  	_ =	shalt  }
0x42: {  	_ =	shalt  }
0x43: {  	_ =	shalt  }
0x44: {  	_ =	shalt  }
0x45: {  	_ =	shalt  }
0x46: {  	_ =	shalt  }
0x47: {  	_ =	shalt  }
0x48: {  	_ =	shalt  }
0x49: {  	_ =	shalt  }
0x4a: {  	_ =	shalt  }
0x4b: {  	_ =	shalt  }
0x4c: {  	_ =	shalt  }
0x4d: {  	_ =	shalt  }
0x4e: {  	_ =	shalt  }
0x4f: {  	_ =	shalt  }
0x50: {  	_ =	shalt  }
0x51: {  	_ =	shalt  }
0x52: {  	_ =	shalt  }
0x53: {  	_ =	shalt  }
0x54: {  	_ =	shalt  }
0x55: {  	_ =	shalt  }
0x56: {  	_ =	shalt  }
0x57: {  	_ =	shalt  }
0x58: {  	_ =	shalt  }
0x59: {  	_ =	shalt  }
0x5a: {  	_ =	shalt  }
0x5b: {  	_ =	shalt  }
0x5c: {  	_ =	shalt  }
0x5d: {  	_ =	shalt  }
0x5e: {  	_ =	shalt  }
0x5f: {  	_ =	shalt  }
0x60: {  	_ =	shalt  }
0x61: {  	_ =	shalt  }
0x62: {  	_ =	shalt  }
0x63: {  	_ =	shalt  }
0x64: {  	_ =	shalt  }
0x65: {  	_ =	shalt  }
0x66: {  	_ =	shalt  }
0x67: {  	_ =	shalt  }
0x68: {  	_ =	shalt  }
0x69: {  	_ =	shalt  }
0x6a: {  	_ =	shalt  }
0x6b: {  	_ =	shalt  }
0x6c: {  	_ =	shalt  }
0x6d: {  	_ =	shalt  }
0x6e: {  	_ =	shalt  }
0x6f: {  	_ =	shalt  }
0x70: {  	_ =	shalt  }
0x71: {  	_ =	shalt  }
0x72: {  	_ =	shalt  }
0x73: {  	_ =	shalt  }
0x74: {  	_ =	shalt  }
0x75: {  	_ =	shalt  }
0x76: {  	_ =	shalt  }
0x77: {  	_ =	shalt  }
0x78: {  	_ =	shalt  }
0x79: {  	_ =	shalt  }
0x7a: {  	_ =	shalt  }
0x7b: {  	_ =	shalt  }
0x7c: {  	_ =	shalt  }
0x7d: {  	_ =	shalt  }
0x7e: {  	_ =	shalt  }
0x7f: {  	_ =	shalt  }
0x80: {  	_ =	shalt  }
0x81: {  	_ =	shalt  }
0x82: {  	_ =	shalt  }
0x83: {  	_ =	shalt  }
0x84: {  	_ =	shalt  }
0x85: {  	_ =	shalt  }
0x86: {  	_ =	shalt  }
0x87: {  	_ =	shalt  }
.Lfunc_end0:
.L_simem_size_0:
called_computation.1_lowered:
.L_overlay_start_0:
0x88: {  	s2 =	sld [smem:$0x3FD9]  }
0x89: {  	s3 =	sld [smem:$0x3FFE];
	_ =	sdelay $0x1  }
0x8a: {  	s1 =	srdreg.scid  }
0x8b: {  	s0 =	sand.u32 $0x1, s1  }
0x8c: {  	s17 =	sshll.u32 s0, $0xA;
	s2 =	sadd.s32 s3, s2  }
0x8d: {  	s2 =	sadd.s32 s2, s17  }
0x8e: {  	[smem:$0x3FBB] =	sst s2  }
0x8f: {  	_ = 	snop  }
0x90: {  	s18 =	sld [smem:$0x3FC9];
	(tm) =	ssettm $0x1  }
0x91: {  	s19 =	sld [smem:$0x3FFB];
	_ =	sdelay $0x3  }
0x92: {  	_ =	strace s19  }
0x93: {  	s2 =	sld [smem:$0x3FFC];
	_ =	sdelay $0x3  }
0x94: {  	_ =	strace s2  }
0x95: {  	s2 =	sld [smem:$0x3FFD];
	_ =	sdelay $0x3  }
0x96: {  	_ =	strace s2  }
0x97: {  	_ =	strace $0x8FFFFFFF  }
0x98: {  	s20 =	sld [smem:$0x3FDB];
	_ =	sdelay $0x1  }
0x99: {  	s4 =	simm.s32 $_scs_section_size  }
0x9a: {  	s5 =	simm.s32 $_size__tile_overlayer_lowered;
	s6 =	simm.s32 $_tile_overlayer_lowered  }
0x9b: {  	s7 =	simm.s32 $0x1BFF;
	s21 =	sshll.u32 s6, $0x1;
	s4 =	sadd.s32 s4, s20  }
0x9c: {  	s22 =	simm.s32 $0x0;
	s5 =	sshll.u32 s5, $0x1;
	s6 =	sadd.s32 s21, s4  }
0x9d: {  	[timem:s22], [sflag:s7] =	dma.local [hbm:s6], s5  }
0x9e: {  	_ =	swait.ge [sflag:s7], s5  }
0x9f: {  	s5 =	ssub.s32 $0x0, s5;
	[sflag:s7] =	ssyncset.done $0x0  }
0xa0: {  	[sflag:s7] =	ssyncadd.s32 s5;
	_ =	sdelay $0x1  }
0xa1: {  	s23 =	simm.s32 $0x1B8B  }
0xa2: {  	_ =	swait.ge [sflag:s23], $0x1  }
0xa3: {  	[sflag:s23] =	ssyncset.done $0x0  }
0xa4: {  	[sflag:s23] =	ssyncadd.s32 $0xFFFFFFFF  }
0xa5: {  	s5 =	sld [smem:$0x0]  }
0xa6: {  	s6 =	sand.u32 $0xFFFFFFFE, s1  }
0xa7: {  	p0 =	sne.s32 s1, s6  }
0xa8: {  	s6 =	sshll.u32 @p0 s6, $0xE  }
0xa9: {  	s6 =	sadd.s32 @p0 $0x11B8D, s6;
	s7 =	sshll.u32 @p0 s5, $0x11  }
0xaa: {  	s6 =	sor.u32 @p0 s7, s6  }
0xab: {  	[sflag:s6] =	ssyncadd.remote.s32 @p0 $0x1;
	_ =	sdelay $0x1  }
0xac: {  	s6 =	simm.s32 @p0 $0x1B8D  }
0xad: {  	_ =	swait.eq @p0 [sflag:s6], $0x1  }
0xae: {  	[sflag:s6] =	ssyncadd.s32 @p0 $0xFFFFFFFF  }
0xaf: {  	s7 =	sshll.u32 @!p0 s1, $0xE  }
0xb0: {  	s7 =	sor.u32 @!p0 $0x4000, s7;
	s6 =	simm.s32 @!p0 $0x1B8D  }
0xb1: {  	s5 =	sshll.u32 @!p0 s5, $0x11;
	s7 =	sadd.s32 @!p0 $0x11B8D, s7;
	_ =	swait.eq @!p0 [sflag:s6], $0x1  }
0xb2: {  	s5 =	sor.u32 @!p0 s5, s7;
	[sflag:s6] =	ssyncadd.s32 @!p0 $0xFFFFFFFF  }
0xb3: {  	s25 =	simm.s32 $0x1B8E;
	s24 =	sld [smem:$0x3FFE];
	[sflag:s5] =	ssyncadd.remote.s32 @!p0 $0x1  }
0xb4: {  	s26 =	simm.s32 $execute0_lowered;
	[smem:$0x3FD2] =	sst s25  }
0xb5: {  	s6 =	sshll.u32 s26, $0x1;
	_ =	strace $0x80000049;
	[dreg:$0x1] =	wrdreg $0xFFFFFFFF  }
0xb6: {  	s28 =	simm.s32 $_size_execute0_lowered;
	s4 =	sadd.s32 s4, s6;
	[dreg:$0x0] =	wrdreg $0x0  }
0xb7: {  	s6 =	sshll.u32 s28, $0x1;
	[dreg:$0x2] =	wrdreg s4  }
0xb8: {  	[dreg:$0x3] =	wrdreg s6  }
0xb9: {  	[dreg:$0x4] =	wrdreg $0xC0  }
0xba: {  	_ =	task [dreg:s22], $0x5FFFF  }
0xbb: {  	[dreg:$0x1] =	wrdreg $0xFFFFFFFF  }
0xbc: {  	[dreg:$0x0] =	wrdreg $0x60  }
0xbd: {  	[dreg:$0x2] =	wrdreg s18  }
0xbe: {  	[dreg:$0x3] =	wrdreg s24  }
0xbf: {  	[dreg:$0x4] =	wrdreg $0xA8000  }
0xc0: {  	[dreg:$0x5] =	wrdreg $0xA  }
0xc1: {  	_ =	task.clear_ibuf [dreg:s22], $0x6FFFF;
	_ =	strace $0x90000049  }
0xc2: {  	s29 =	simm.s32 $0xA;
	_ =	strace $0x8000004B  }
0xc3: {  	_ =	swait.ge [sflag:s29], $0x1  }
0xc4: {  	[sflag:s29] =	ssyncadd.s32 $0xFFFFFFFF  }
0xc5: {  	_ =	strace $0x9000004B  }
0xc6: {  	_ =	sfence  }
0xc7: {  	s30 =	sld [smem:$0x0];
	_ =	sdelay $0x2  }
0xc8: {  	s31 =	sshll.u32 s1, $0xD;
	s1 =	sshrl.u32 s1, $0x2  }
0xc9: {  	s4 =	sand.u32 $0x4000, s31;
	s1 =	sadd.s32 s1, s30  }
0xca: {  	s0 =	sor.u32 s4, s0;
	s1 =	sshll.u32 s1, $0x11  }
0xcb: {  	s0 =	sor.u32 s1, s0  }
0xcc: {  	s0 =	sadd.s32 $0x8F2B, s0  }
0xcd: {  	[sflag:s0] =	ssyncadd.remote.s32 $0x1  }
0xce: {  	_ =	sfence.sel $0xFFFF  }
0xcf: {  	[dreg:$0x0] =	wrdreg $0xFFFFFFFF;
	(pc) =	sbr.abs _section_cstart, $3  }
0xd0: {  	[dreg:$0x1] =	wrdreg $0xFFFFFFFF  }
0xd1: {  	_ =	task.clear_ibuf [dreg:s22], $0x2FFFF;
	_ =	strace $0x9FFFFFFF  }
0xd2: {  	(tm) =	ssettm $0x7FFFFFFF  }
0xd3: {  	_ =	shalt  }
tec
execute0_lowered:
.L_overlay_start_1:
0x0: {  	(tag) =	ssettag $0x1  }
0x1: {  	s1 =	rddreg [dreg:$0x0]  }
0x2: {  	s6 =	rddreg [dreg:$0x1]  }
0x3: {  	s2 =	rddreg [dreg:$0x2]  }
0x4: {  	s0 =	rddreg [dreg:$0x3];
	s4 =	simm.s32 $0x0;
	s3 =	srdreg.scid  }
0x5: {  	s13 =	simm.s32 $0x4000;
	s14 =	simm.s32 $0x50;
	s15 =	simm.s32 $0x8000  }
0x6: {  	s16 =	simm.s32 $0x1;
	[smem:$0x7FF] =	sst s4;
	s7 =	sand.u32 $0x1, s3  }
0x7: {  	s17 =	simm.s32 $0x0;
	s3 =	stileid.u32;
	s5 =	smul.u32 $0x140000, s7  }
0x8: {  	s8 =	sshll.u32 s3, $0xC;
	s9 =	sshll.u32 s7, $0xB;
	s10 =	smul.u32 $0x14000, s3  }
0x9: {  	_ =	strace $0x8000004A;
	s29 =	smul.u32 $0x50000, s3;
	s7 =	ssub.s32 $0x2, s7  }
0xa: {  	s31 =	sshll.u32 s3, $0x6;
	s8 =	sor.u32 s9, s8;
	s30 =	sshrl.u32 s7, $0x1  }
0xb: {  	s8 =	sadd.s32 s8, s6;
	s28 =	sadd.s32 s10, s5;
	s5 =	sadd.s32 $0x14600, s6  }
0xc: {  	s10 =	sshrl.u32 s29, $0x2;
	s11 =	ssub.s32 s7, s30;
	s9 =	sshrl.u32 s28, $0x3  }
0xd: {  	s12 =	sadd.s32 s10, s2;
	s7 =	sadd.s32 $0x67400, s8;
	s8 =	sadd.s32 $0x4600, s8  }
0xe: {  	s10 =	smax.u32 s11, $0x1;
	s9 =	sadd.s32 s9, s6;
	s6 =	sor.u32 $0x1C02, s31  }
0xf: {  	s11 =	sshrl.u32 s12, $0x3;
	s12 =	simm.s32 $0x2;
	s9 =	sadd.s32 $0x77400, s9  }
.LBB2_1:
0x10: {  	[spmem:s11], [sflag:s6] =	dma.local [hbm:s5], $0x2800  }
0x11: {  	_ =	swait.ge [sflag:s12], $0x2800  }
0x12: {  	[sflag:s12] =	ssyncset.done $0x0  }
0x13: {  	[sflag:s12] =	ssyncadd.s32 $0xFFFFD800  }
0x14: {  	[tilespmem:s4], [sflag:$0x2] =	stream.linear.gather [hbm4b:s7+s4], $0x3E80, $0x38;
	[tilespmem:$0x1E800] =	vst v63  }
0x15: {  	_ =	swait.ge [sflag:s12], $0x3E80  }
0x16: {  	[sflag:s12] =	ssyncset.done $0x0  }
0x17: {  	[sflag:s12] =	ssyncadd.s32 $0xFFFFC180  }
0x18: {  	[tilespmem:s13], [sflag:$0x2] =	stream.linear.gather [hbm4b:s8+s4], $0x3E80, $0x38;
	[tilespmem:$0x1E800] =	vst v63  }
0x19: {  	_ =	swait.ge [sflag:s12], $0x3E80  }
0x1a: {  	[sflag:s12] =	ssyncset.done $0x0  }
0x1b: {  	[sflag:s12] =	ssyncadd.s32 $0xFFFFC180  }
0x1c: {  	s18 =	simm.s32 $0x0;
	[bflag:$0x0] =	sbarrier.arrive $0xFFFF  }
0x1d: {  	[tilespmem:s15], [sflag:$0x1] =	stream.indirect.gather [hbm4b:s1+s14], $0x80, s18, s14, $0xb8;
	[tilespmem:$0x1E800] =	vst v63  }
0x1e: {  	_ =	swait.ge [sflag:s16], $0x2800  }
0x1f: {  	[sflag:s16] =	ssyncset.done $0x0  }
0x20: {  	s31 =	simm.s32 $0x4000;
	[sflag:s16] =	ssyncadd.s32 $0xFFFFD800  }
0x21: {  	[spmem:s2] =	stream.indirect.scatter.add.f32 [tilespmem:s15], [sflag:$0x2], $0x80, s31, s14, $0xb8;
	[tilespmem:$0x1E800] =	vst v63  }
0x22: {  	_ =	swait.ge [sflag:s12], $0x2800  }
0x23: {  	s19 =	simm.s32 $0x400;
	s18 =	simm.s32 $0x200;
	[sflag:s12] =	ssyncset.done $0x0  }
.LBB2_2:
0x24: {  	s20 =	sshra.s32 s18, $0x2  }
0x25: {  	[sflag:s12] =	ssyncadd.s32 $0xFFFFD800;
	s18 =	smov.u32 s19;
	s21 =	sadd.s32 $0x200, s19  }
0x26: {  	[tilespmem:s15], [sflag:$0x1] =	stream.indirect.gather [hbm4b:s1+s14], $0x80, s20, s14, $0xb8;
	[tilespmem:$0x1E800] =	vst v63  }
0x27: {  	p0 =	sne.s32 s19, $0xF800;
	_ =	swait.ge [sflag:s16], $0x2800  }
.Ltmp0:
0x28: {  	[sflag:s16] =	ssyncset.done $0x0;
	(pc) =	sbr.rel @p0 .LBB2_2-.Ltmp0, $4  }
0x29: {  	s19 =	sadd.s32 $0x4000, s20;
	[sflag:s16] =	ssyncadd.s32 $0xFFFFD800  }
0x2a: {  	[spmem:s2] =	stream.indirect.scatter.add.f32 [tilespmem:s15], [sflag:$0x2], $0x80, s19, s14, $0xb8;
	[tilespmem:$0x1E800] =	vst v63  }
0x2b: {  	_ =	swait.ge [sflag:s12], $0x2800  }
0x2c: {  	s19 =	smov.u32 s21;
	[sflag:s12] =	ssyncset.done $0x0  }
0x2d: {  	s18 =	sshra.s32 s18, $0x2;
	[sflag:s12] =	ssyncadd.s32 $0xFFFFD800  }
0x2e: {  	[tilespmem:s15], [sflag:$0x1] =	stream.indirect.gather [hbm4b:s1+s14], $0x80, s18, s14, $0xb8;
	[tilespmem:$0x1E800] =	vst v63  }
0x2f: {  	_ =	swait.ge [sflag:s16], $0x2800  }
0x30: {  	[sflag:s16] =	ssyncset.done $0x0  }
0x31: {  	s18 =	sadd.s32 $0x4000, s18;
	[sflag:s16] =	ssyncadd.s32 $0xFFFFD800  }
0x32: {  	[spmem:s2] =	stream.indirect.scatter.add.f32 [tilespmem:s15], [sflag:$0x2], $0x80, s18, s14, $0xb8;
	[tilespmem:$0x1E800] =	vst v63  }
0x33: {  	_ =	swait.ge [sflag:s12], $0x2800  }
0x34: {  	s17 =	sadd.s32 $0x1, s17;
	[sflag:s12] =	ssyncset.done $0x0  }
0x35: {  	p0 =	sne.s32 s17, s10;
	[sflag:s12] =	ssyncadd.s32 $0xFFFFD800  }
.Ltmp1:
0x36: {  	[bflag:$0x0] =	sbarrier.arrive $0xFFFF;
	(pc) =	sbr.rel @p0 .LBB2_1-.Ltmp1, $4  }
0x37: {  	[hbm:s9], [sflag:s6] =	dma.local [spmem:s11], $0x2800  }
0x38: {  	_ =	swait.ge [sflag:s12], $0x2800  }
0x39: {  	[sflag:s12] =	ssyncset.done $0x0  }
0x3a: {  	[sflag:s12] =	ssyncadd.s32 $0xFFFFD800  }
0x3b: {  	_ =	sfence.sel $0x180000  }
0x3c: {  	[bflag:$0x0] =	sbarrier.arrive $0xFFFF  }
0x3d: {  	p0 =	sne.s32 s3, $0x0;
	_ =	strace $0x9000004A  }
0x3e: {  	s0 =	sadd.s32 @!p0 $0x100000, s0;
	[bflag:$0x2] =	sbarrier.arrive $0xFFFF  }
0x3f: {  	[sflag:s0] =	ssyncadd.tile.s32 @!p0 $0x1;
	_ =	shalt  }
.Lfunc_end2:
_tile_overlayer_lowered:
.L_overlay_start_2:
0x40: {  	(tag) =	ssettag $0x2  }
0x41: {  	s0 =	rddreg [dreg:$0x0];
	s2 =	stileid.u32  }
0x42: {  	s1 =	rddreg [dreg:$0x1];
	p0 =	sne.s32 s2, $0x0  }
0x43: {  	s3 =	rddreg [dreg:$0x2];
	[bflag:$0x3] =	sbarrier.arrive $0xFFFF;
	s2 =	simm.s32 @!p0 $0x1C02  }
0x44: {  	[timem:s3], [sflag:s2] =	dma.local @!p0 [hbm:s0], s1  }
0x45: {  	s0 =	simm.s32 @!p0 $0x2  }
0x46: {  	_ =	swait.ge @!p0 [sflag:s0], s1  }
0x47: {  	s1 =	ssub.s32 @!p0 $0x0, s1;
	[sflag:s0] =	ssyncset.done @!p0 $0x0  }
0x48: {  	[sflag:s0] =	ssyncadd.s32 @!p0 s1  }
0x49: {  	[bflag:$0x3] =	sbarrier.arrive $0xFFFF  }
0x4a: {  	_ =	shalt  }

// kernel: kernel.17.cloned.1.call-start
scs
__scs_entry_jumppad:
0x0: {  	(pc) =	sbr.rel $0x88, $3  }
0x1: {  	(tag) =	ssettag $0x0;
	lr =	simm.s32 $0x1  }
0x2: {  	[smem:$0x3F94] =	sst lr;
	_ =	strace $0xD0000000  }
0x3: {  	_ = 	snop  }
0x4: {  	_ = 	snop  }
0x5: {  	_ = 	snop  }
0x6: {  	_ = 	snop  }
0x7: {  	_ = 	snop  }
__scs_overlays_trampoline_lowered:
0x8: {  	[smem:$0x3FA3] =	sst s0  }
0x9: {  	[smem:$0x3FA4] =	sst s1  }
0xa: {  	[smem:$0x3FA5] =	sst s2  }
0xb: {  	[smem:$0x3FA6] =	sst s3  }
0xc: {  	[smem:$0x3FA7] =	sst s4  }
0xd: {  	[smem:$0x3FA8] =	sst s5  }
0xe: {  	[smem:$0x3FA9] =	sst s6  }
0xf: {  	[smem:$0x3FAA] =	sst s7  }
0x10: {  	[smem:$0x3FAB] =	sst s8  }
0x11: {  	[smem:$0x3FAC] =	sst s9;
	s0 =	simm.s32 @!p0 $0x0  }
0x12: {  	s1 =	sld [smem:$0x3F92];
	s0 =	simm.s32 @p0 $0x1  }
0x13: {  	[smem:$0x3FAD] =	sst s0;
	s0 =	simm.s32 @!p1 $0x0  }
0x14: {  	s2 =	sld [smem:$0x3F91];
	s0 =	simm.s32 @p1 $0x1  }
0x15: {  	[smem:$0x3FAE] =	sst s0;
	s0 =	simm.s32 @!p2 $0x0  }
0x16: {  	s3 =	sld [smem:$0x3FDB];
	s0 =	simm.s32 @p2 $0x1  }
0x17: {  	s4 =	simm.s32 $0x1BF5;
	[smem:$0x3FB0] =	sst s0  }
0x18: {  	s0 =	sld [smem:$0x3F93];
	_ =	swait.ge [sflag:s4], $0x0  }
0x19: {  	s7 =	sld [smem:$0x3F94]  }
0x1a: {  	s8 =	sadd.s32 $0xFFFFE003, lr  }
0x1b: {  	s9 =	sadd.s32 $0xFFFFFEF7, lr;
	s5 =	simm.s32 $0xFFFFFFFF;
	p2 =	slt.u32 s8, $0xFFFFF086  }
0x1c: {  	p1 =	slt.u32 s9, $0xF7A;
	s5 =	simm.s32 @!p2 $0x0  }
0x1d: {  	s5 =	simm.s32 @p1 $0x1;
	p0 =	seq.s32 s7, s2  }
0x1e: {  	s7 =	smul.u32 @!p0 $0xF7A, s2;
	p2 =	seq.s32 @!p0 s5, $0x0  }
0x1f: {  	s9 =	smul.u32 $0xF7A, s1;
	s8 =	simm.s32 @!p0 $0x1BF5;
	p2 =	por !p2, p0  }
0x20: {  	[sflag:s8] =	ssyncset.s32 @!p0 $0xFFFFF086;
	s6 =	sadd.s32 @!p0 s3, s7;
	s7 =	simm.s32 @!p0 $0x108  }
0x21: {  	s3 =	sadd.s32 s3, s9;
	s6 =	sadd.s32 @!p0 $0x88, s6;
	s7 =	simm.s32 @p2 $0x1082  }
0x22: {  	[simem:s7], [sflag:s8] =	dma.local @!p0 [hbm:s6], $0xF7A  }
0x23: {  	s9 =	sor.u32 $0xD0000000, s2;
	s6 =	simm.s32 $0x108;
	_ =	swait.ge @!p0 [sflag:s8], $0x0  }
0x24: {  	s3 =	sadd.s32 $0x88, s3;
	s6 =	simm.s32 @!p1 $0x1082;
	[sflag:s4] =	ssyncset.s32 $0xFFFFF086  }
0x25: {  	[simem:s6], [sflag:s4] =	dma.local [hbm:s3], $0xF7A  }
0x26: {  	[smem:$0x3F94] =	sst s1;
	(tag) =	ssettag s2;
	_ =	strace s9  }
0x27: {  	s1 =	sld [smem:$0x3FA4]  }
0x28: {  	s2 =	sld [smem:$0x3FA5]  }
0x29: {  	s4 =	sld [smem:$0x3FA7]  }
0x2a: {  	p0 =	seq.s32 s5, $0x0;
	s5 =	sld [smem:$0x3FA8]  }
0x2b: {  	s6 =	sld [smem:$0x3FA9]  }
0x2c: {  	s7 =	sld [smem:$0x3FAA]  }
0x2d: {  	s3 =	simm.s32 $0x108;
	s8 =	sld [smem:$0x3FAB]  }
0x2e: {  	s3 =	simm.s32 @!p0 $0x1082;
	s9 =	sld [smem:$0x3FAC]  }
0x2f: {  	lr =	sadd.s32 s0, s3;
	s0 =	sld [smem:$0x3FA3]  }
0x30: {  	s3 =	sld [smem:$0x3FA6]  }
0x31: {  	[smem:$0x3FAF] =	sst s10  }
0x32: {  	s10 =	sld [smem:$0x3FAD];
	_ =	sdelay $0x3  }
0x33: {  	p0 =	seq.s32 s10, $0x1;
	s10 =	sld [smem:$0x3FAF];
	_ =	sdelay $0x3  }
0x34: {  	[smem:$0x3FAF] =	sst s10  }
0x35: {  	s10 =	sld [smem:$0x3FAE];
	_ =	sdelay $0x3  }
0x36: {  	p1 =	seq.s32 s10, $0x1;
	s10 =	sld [smem:$0x3FAF];
	_ =	sdelay $0x3  }
0x37: {  	[smem:$0x3FAF] =	sst s10  }
0x38: {  	s10 =	sld [smem:$0x3FB0]  }
0x39: {  	_ = 	snop;
	(pc) =	sbr.ind lr, $3  }
0x3a: {  	_ = 	snop  }
0x3b: {  	_ = 	snop  }
0x3c: {  	p2 =	seq.s32 s10, $0x1;
	s10 =	sld [smem:$0x3FAF]  }
0x3d: {  	_ =	shalt  }
0x3e: {  	_ =	shalt  }
0x3f: {  	_ =	shalt  }
0x40: {  	_ =	shalt  }
0x41: {  	_ =	shalt  }
0x42: {  	_ =	shalt  }
0x43: {  	_ =	shalt  }
0x44: {  	_ =	shalt  }
0x45: {  	_ =	shalt  }
0x46: {  	_ =	shalt  }
0x47: {  	_ =	shalt  }
0x48: {  	_ =	shalt  }
0x49: {  	_ =	shalt  }
0x4a: {  	_ =	shalt  }
0x4b: {  	_ =	shalt  }
0x4c: {  	_ =	shalt  }
0x4d: {  	_ =	shalt  }
0x4e: {  	_ =	shalt  }
0x4f: {  	_ =	shalt  }
0x50: {  	_ =	shalt  }
0x51: {  	_ =	shalt  }
0x52: {  	_ =	shalt  }
0x53: {  	_ =	shalt  }
0x54: {  	_ =	shalt  }
0x55: {  	_ =	shalt  }
0x56: {  	_ =	shalt  }
0x57: {  	_ =	shalt  }
0x58: {  	_ =	shalt  }
0x59: {  	_ =	shalt  }
0x5a: {  	_ =	shalt  }
0x5b: {  	_ =	shalt  }
0x5c: {  	_ =	shalt  }
0x5d: {  	_ =	shalt  }
0x5e: {  	_ =	shalt  }
0x5f: {  	_ =	shalt  }
0x60: {  	_ =	shalt  }
0x61: {  	_ =	shalt  }
0x62: {  	_ =	shalt  }
0x63: {  	_ =	shalt  }
0x64: {  	_ =	shalt  }
0x65: {  	_ =	shalt  }
0x66: {  	_ =	shalt  }
0x67: {  	_ =	shalt  }
0x68: {  	_ =	shalt  }
0x69: {  	_ =	shalt  }
0x6a: {  	_ =	shalt  }
0x6b: {  	_ =	shalt  }
0x6c: {  	_ =	shalt  }
0x6d: {  	_ =	shalt  }
0x6e: {  	_ =	shalt  }
0x6f: {  	_ =	shalt  }
0x70: {  	_ =	shalt  }
0x71: {  	_ =	shalt  }
0x72: {  	_ =	shalt  }
0x73: {  	_ =	shalt  }
0x74: {  	_ =	shalt  }
0x75: {  	_ =	shalt  }
0x76: {  	_ =	shalt  }
0x77: {  	_ =	shalt  }
0x78: {  	_ =	shalt  }
0x79: {  	_ =	shalt  }
0x7a: {  	_ =	shalt  }
0x7b: {  	_ =	shalt  }
0x7c: {  	_ =	shalt  }
0x7d: {  	_ =	shalt  }
0x7e: {  	_ =	shalt  }
0x7f: {  	_ =	shalt  }
0x80: {  	_ =	shalt  }
0x81: {  	_ =	shalt  }
0x82: {  	_ =	shalt  }
0x83: {  	_ =	shalt  }
0x84: {  	_ =	shalt  }
0x85: {  	_ =	shalt  }
0x86: {  	_ =	shalt  }
0x87: {  	_ =	shalt  }
.Lfunc_end0:
.L_simem_size_0:
called_computation.2_lowered:
.L_overlay_start_0:
0x88: {  	s2 =	sld [smem:$0x3FD9]  }
0x89: {  	s3 =	sld [smem:$0x3FFE];
	_ =	sdelay $0x1  }
0x8a: {  	s1 =	srdreg.scid  }
0x8b: {  	s0 =	sand.u32 $0x1, s1  }
0x8c: {  	s16 =	sshll.u32 s0, $0xA;
	s2 =	sadd.s32 s3, s2  }
0x8d: {  	s2 =	sadd.s32 s2, s16  }
0x8e: {  	[smem:$0x3FBB] =	sst s2  }
0x8f: {  	_ = 	snop  }
0x90: {  	(tm) =	ssettm $0x1  }
0x91: {  	s17 =	sld [smem:$0x3FFB];
	_ =	sdelay $0x3  }
0x92: {  	_ =	strace s17  }
0x93: {  	s2 =	sld [smem:$0x3FFC];
	_ =	sdelay $0x3  }
0x94: {  	_ =	strace s2  }
0x95: {  	s2 =	sld [smem:$0x3FFD];
	_ =	sdelay $0x3  }
0x96: {  	_ =	strace s2  }
0x97: {  	_ =	strace $0x8FFFFFFF  }
0x98: {  	s18 =	sld [smem:$0x3FDB];
	_ =	sdelay $0x1  }
0x99: {  	s19 =	simm.s32 $_scs_section_size  }
0x9a: {  	s4 =	simm.s32 $_size__tile_overlayer_lowered;
	s5 =	simm.s32 $_tile_overlayer_lowered  }
0x9b: {  	s22 =	simm.s32 $0x1BFF;
	s21 =	sshll.u32 s5, $0x1;
	s2 =	sadd.s32 s19, s18  }
0x9c: {  	s6 =	simm.s32 $0x0;
	s20 =	sshll.u32 s4, $0x1;
	s4 =	sadd.s32 s21, s2  }
0x9d: {  	[timem:s6], [sflag:s22] =	dma.local [hbm:s4], s20  }
0x9e: {  	_ =	swait.ge [sflag:s22], s20  }
0x9f: {  	s3 =	ssub.s32 $0x0, s20;
	[sflag:s22] =	ssyncset.done $0x0  }
0xa0: {  	[sflag:s22] =	ssyncadd.s32 s3;
	_ =	sdelay $0x1  }
0xa1: {  	s23 =	simm.s32 $0x1B8B  }
0xa2: {  	_ =	swait.ge [sflag:s23], $0x1  }
0xa3: {  	[sflag:s23] =	ssyncset.done $0x0  }
0xa4: {  	s25 =	simm.s32 $0x1B8E;
	s24 =	sld [smem:$0x3FFE];
	[sflag:s23] =	ssyncadd.s32 $0xFFFFFFFF  }
0xa5: {  	s26 =	simm.s32 $execute0_lowered;
	[smem:$0x3FD2] =	sst s25  }
0xa6: {  	s4 =	sshll.u32 s26, $0x1;
	_ =	strace $0x8000004C;
	[dreg:$0x1] =	wrdreg $0xFFFFFFFF  }
0xa7: {  	s28 =	simm.s32 $_size_execute0_lowered;
	s2 =	sadd.s32 s2, s4;
	[dreg:$0x0] =	wrdreg $0x0  }
0xa8: {  	s4 =	sshll.u32 s28, $0x1;
	[dreg:$0x2] =	wrdreg s2  }
0xa9: {  	[dreg:$0x3] =	wrdreg s4  }
0xaa: {  	[dreg:$0x4] =	wrdreg $0xC0  }
0xab: {  	_ =	task [dreg:s6], $0x5FFFF  }
0xac: {  	[dreg:$0x1] =	wrdreg $0xFFFFFFFF  }
0xad: {  	[dreg:$0x0] =	wrdreg $0x60  }
0xae: {  	[dreg:$0x2] =	wrdreg s24  }
0xaf: {  	[dreg:$0x3] =	wrdreg $0xA8000  }
0xb0: {  	[dreg:$0x4] =	wrdreg $0x9  }
0xb1: {  	_ =	task.clear_ibuf [dreg:s6], $0x5FFFF;
	_ =	strace $0x9000004C  }
0xb2: {  	s29 =	simm.s32 $0x9;
	_ =	strace $0x8000004E  }
0xb3: {  	_ =	swait.ge [sflag:s29], $0x1  }
0xb4: {  	[sflag:s29] =	ssyncadd.s32 $0xFFFFFFFF  }
0xb5: {  	_ =	strace $0x9000004E  }
0xb6: {  	_ =	sfence  }
0xb7: {  	s30 =	sld [smem:$0x0];
	_ =	sdelay $0x2  }
0xb8: {  	s31 =	sshll.u32 s1, $0xD;
	s1 =	sshrl.u32 s1, $0x2  }
0xb9: {  	s3 =	sand.u32 $0x4000, s31;
	s1 =	sadd.s32 s1, s30  }
0xba: {  	s0 =	sor.u32 s3, s0;
	s1 =	sshll.u32 s1, $0x11  }
0xbb: {  	s0 =	sor.u32 s1, s0  }
0xbc: {  	s0 =	sadd.s32 $0x8F2B, s0  }
0xbd: {  	[sflag:s0] =	ssyncadd.remote.s32 $0x1  }
0xbe: {  	_ =	sfence.sel $0xFFFF  }
0xbf: {  	[dreg:$0x0] =	wrdreg $0xFFFFFFFF;
	(pc) =	sbr.abs _section_cstart, $3  }
0xc0: {  	[dreg:$0x1] =	wrdreg $0xFFFFFFFF  }
0xc1: {  	_ =	task.clear_ibuf [dreg:s6], $0x2FFFF;
	_ =	strace $0x9FFFFFFF  }
0xc2: {  	(tm) =	ssettm $0x7FFFFFFF  }
0xc3: {  	_ =	shalt  }
tec
execute0_lowered:
.L_overlay_start_1:
0x0: {  	(tag) =	ssettag $0x1  }
0x1: {  	s6 =	rddreg [dreg:$0x0]  }
0x2: {  	s1 =	rddreg [dreg:$0x1]  }
0x3: {  	s0 =	rddreg [dreg:$0x2]  }
0x4: {  	s3 =	simm.s32 $0x0;
	s2 =	srdreg.scid;
	s13 =	simm.s32 $0x4000  }
0x5: {  	s14 =	simm.s32 $0x50;
	s15 =	simm.s32 $0x8000;
	s16 =	simm.s32 $0x1  }
0x6: {  	s17 =	simm.s32 $0x0;
	[smem:$0x7FF] =	sst s3;
	s7 =	sand.u32 $0x1, s2  }
0x7: {  	s2 =	stileid.u32;
	s4 =	sadd.s32 $0x3E000, s6;
	s5 =	smul.u32 $0x140000, s7  }
0x8: {  	s8 =	sshll.u32 s2, $0xC;
	s9 =	sshll.u32 s7, $0xB;
	s10 =	smul.u32 $0x14000, s2  }
0x9: {  	_ =	strace $0x8000004D;
	s29 =	smul.u32 $0x50000, s2;
	s7 =	ssub.s32 $0x2, s7  }
0xa: {  	s31 =	sshll.u32 s2, $0x6;
	s8 =	sor.u32 s9, s8;
	s30 =	sshrl.u32 s7, $0x1  }
0xb: {  	s8 =	sadd.s32 s8, s6;
	s28 =	sadd.s32 s10, s5;
	s5 =	sadd.s32 $0x14600, s6  }
0xc: {  	s10 =	sshrl.u32 s29, $0x2;
	s11 =	ssub.s32 s7, s30;
	s9 =	sshrl.u32 s28, $0x3  }
0xd: {  	s12 =	sadd.s32 s10, s1;
	s7 =	sadd.s32 $0x67400, s8;
	s8 =	sadd.s32 $0x4600, s8  }
0xe: {  	s10 =	smax.u32 s11, $0x1;
	s9 =	sadd.s32 s9, s6;
	s6 =	sor.u32 $0x1C02, s31  }
0xf: {  	s11 =	sshrl.u32 s12, $0x3;
	s12 =	simm.s32 $0x2;
	s9 =	sadd.s32 $0x77400, s9  }
.LBB2_1:
0x10: {  	[spmem:s11], [sflag:s6] =	dma.local [hbm:s5], $0x2800  }
0x11: {  	_ =	swait.ge [sflag:s12], $0x2800  }
0x12: {  	[sflag:s12] =	ssyncset.done $0x0  }
0x13: {  	[sflag:s12] =	ssyncadd.s32 $0xFFFFD800  }
0x14: {  	[tilespmem:s3], [sflag:$0x2] =	stream.linear.gather [hbm4b:s7+s3], $0x3E80, $0x38;
	[tilespmem:$0x1E800] =	vst v63  }
0x15: {  	_ =	swait.ge [sflag:s12], $0x3E80  }
0x16: {  	[sflag:s12] =	ssyncset.done $0x0  }
0x17: {  	[sflag:s12] =	ssyncadd.s32 $0xFFFFC180  }
0x18: {  	[tilespmem:s13], [sflag:$0x2] =	stream.linear.gather [hbm4b:s8+s3], $0x3E80, $0x38;
	[tilespmem:$0x1E800] =	vst v63  }
0x19: {  	_ =	swait.ge [sflag:s12], $0x3E80  }
0x1a: {  	[sflag:s12] =	ssyncset.done $0x0  }
0x1b: {  	[sflag:s12] =	ssyncadd.s32 $0xFFFFC180  }
0x1c: {  	s18 =	simm.s32 $0x0;
	[bflag:$0x0] =	sbarrier.arrive $0xFFFF  }
0x1d: {  	[tilespmem:s15], [sflag:$0x1] =	stream.indirect.gather [hbm4b:s4+s14], $0x80, s18, s14, $0xb8;
	[tilespmem:$0x1E800] =	vst v63  }
0x1e: {  	_ =	swait.ge [sflag:s16], $0x2800  }
0x1f: {  	[sflag:s16] =	ssyncset.done $0x0  }
0x20: {  	s31 =	simm.s32 $0x4000;
	[sflag:s16] =	ssyncadd.s32 $0xFFFFD800  }
0x21: {  	[spmem:s1] =	stream.indirect.scatter.add.f32 [tilespmem:s15], [sflag:$0x2], $0x80, s31, s14, $0xb8;
	[tilespmem:$0x1E800] =	vst v63  }
0x22: {  	_ =	swait.ge [sflag:s12], $0x2800  }
0x23: {  	s19 =	simm.s32 $0x400;
	s18 =	simm.s32 $0x200;
	[sflag:s12] =	ssyncset.done $0x0  }
.LBB2_2:
0x24: {  	s20 =	sshra.s32 s18, $0x2  }
0x25: {  	[sflag:s12] =	ssyncadd.s32 $0xFFFFD800;
	s18 =	smov.u32 s19;
	s21 =	sadd.s32 $0x200, s19  }
0x26: {  	[tilespmem:s15], [sflag:$0x1] =	stream.indirect.gather [hbm4b:s4+s14], $0x80, s20, s14, $0xb8;
	[tilespmem:$0x1E800] =	vst v63  }
0x27: {  	p0 =	sne.s32 s19, $0xF800;
	_ =	swait.ge [sflag:s16], $0x2800  }
.Ltmp0:
0x28: {  	[sflag:s16] =	ssyncset.done $0x0;
	(pc) =	sbr.rel @p0 .LBB2_2-.Ltmp0, $4  }
0x29: {  	s19 =	sadd.s32 $0x4000, s20;
	[sflag:s16] =	ssyncadd.s32 $0xFFFFD800  }
0x2a: {  	[spmem:s1] =	stream.indirect.scatter.add.f32 [tilespmem:s15], [sflag:$0x2], $0x80, s19, s14, $0xb8;
	[tilespmem:$0x1E800] =	vst v63  }
0x2b: {  	_ =	swait.ge [sflag:s12], $0x2800  }
0x2c: {  	s19 =	smov.u32 s21;
	[sflag:s12] =	ssyncset.done $0x0  }
0x2d: {  	s18 =	sshra.s32 s18, $0x2;
	[sflag:s12] =	ssyncadd.s32 $0xFFFFD800  }
0x2e: {  	[tilespmem:s15], [sflag:$0x1] =	stream.indirect.gather [hbm4b:s4+s14], $0x80, s18, s14, $0xb8;
	[tilespmem:$0x1E800] =	vst v63  }
0x2f: {  	_ =	swait.ge [sflag:s16], $0x2800  }
0x30: {  	[sflag:s16] =	ssyncset.done $0x0  }
0x31: {  	s18 =	sadd.s32 $0x4000, s18;
	[sflag:s16] =	ssyncadd.s32 $0xFFFFD800  }
0x32: {  	[spmem:s1] =	stream.indirect.scatter.add.f32 [tilespmem:s15], [sflag:$0x2], $0x80, s18, s14, $0xb8;
	[tilespmem:$0x1E800] =	vst v63  }
0x33: {  	_ =	swait.ge [sflag:s12], $0x2800  }
0x34: {  	s17 =	sadd.s32 $0x1, s17;
	[sflag:s12] =	ssyncset.done $0x0  }
0x35: {  	p0 =	sne.s32 s17, s10;
	[sflag:s12] =	ssyncadd.s32 $0xFFFFD800  }
.Ltmp1:
0x36: {  	[bflag:$0x0] =	sbarrier.arrive $0xFFFF;
	(pc) =	sbr.rel @p0 .LBB2_1-.Ltmp1, $4  }
0x37: {  	[hbm:s9], [sflag:s6] =	dma.local [spmem:s11], $0x2800  }
0x38: {  	_ =	swait.ge [sflag:s12], $0x2800  }
0x39: {  	[sflag:s12] =	ssyncset.done $0x0  }
0x3a: {  	[sflag:s12] =	ssyncadd.s32 $0xFFFFD800  }
0x3b: {  	_ =	sfence.sel $0x180000  }
0x3c: {  	[bflag:$0x0] =	sbarrier.arrive $0xFFFF  }
0x3d: {  	p0 =	sne.s32 s2, $0x0;
	_ =	strace $0x9000004D  }
0x3e: {  	s0 =	sadd.s32 @!p0 $0x100000, s0;
	[bflag:$0x2] =	sbarrier.arrive $0xFFFF  }
0x3f: {  	[sflag:s0] =	ssyncadd.tile.s32 @!p0 $0x1;
	_ =	shalt  }
.Lfunc_end2:
_tile_overlayer_lowered:
.L_overlay_start_2:
0x40: {  	(tag) =	ssettag $0x2  }
0x41: {  	s0 =	rddreg [dreg:$0x0];
	s2 =	stileid.u32  }
0x42: {  	s1 =	rddreg [dreg:$0x1];
	p0 =	sne.s32 s2, $0x0  }
0x43: {  	s3 =	rddreg [dreg:$0x2];
	[bflag:$0x3] =	sbarrier.arrive $0xFFFF;
	s2 =	simm.s32 @!p0 $0x1C02  }
0x44: {  	[timem:s3], [sflag:s2] =	dma.local @!p0 [hbm:s0], s1  }
0x45: {  	s0 =	simm.s32 @!p0 $0x2  }
0x46: {  	_ =	swait.ge @!p0 [sflag:s0], s1  }
0x47: {  	s1 =	ssub.s32 @!p0 $0x0, s1;
	[sflag:s0] =	ssyncset.done @!p0 $0x0  }
0x48: {  	[sflag:s0] =	ssyncadd.s32 @!p0 s1  }
0x49: {  	[bflag:$0x3] =	sbarrier.arrive $0xFFFF  }
0x4a: {  	_ =	shalt  }

// kernel: kernel.20.cloned.1.call-start
scs
__scs_entry_jumppad:
0x0: {  	(pc) =	sbr.rel $0x88, $3  }
0x1: {  	(tag) =	ssettag $0x0;
	lr =	simm.s32 $0x1  }
0x2: {  	[smem:$0x3F94] =	sst lr;
	_ =	strace $0xD0000000  }
0x3: {  	_ = 	snop  }
0x4: {  	_ = 	snop  }
0x5: {  	_ = 	snop  }
0x6: {  	_ = 	snop  }
0x7: {  	_ = 	snop  }
__scs_overlays_trampoline_lowered:
0x8: {  	[smem:$0x3FA3] =	sst s0  }
0x9: {  	[smem:$0x3FA4] =	sst s1  }
0xa: {  	[smem:$0x3FA5] =	sst s2  }
0xb: {  	[smem:$0x3FA6] =	sst s3  }
0xc: {  	[smem:$0x3FA7] =	sst s4  }
0xd: {  	[smem:$0x3FA8] =	sst s5  }
0xe: {  	[smem:$0x3FA9] =	sst s6  }
0xf: {  	[smem:$0x3FAA] =	sst s7  }
0x10: {  	[smem:$0x3FAB] =	sst s8  }
0x11: {  	[smem:$0x3FAC] =	sst s9;
	s0 =	simm.s32 @!p0 $0x0  }
0x12: {  	s1 =	sld [smem:$0x3F92];
	s0 =	simm.s32 @p0 $0x1  }
0x13: {  	[smem:$0x3FAD] =	sst s0;
	s0 =	simm.s32 @!p1 $0x0  }
0x14: {  	s2 =	sld [smem:$0x3F91];
	s0 =	simm.s32 @p1 $0x1  }
0x15: {  	[smem:$0x3FAE] =	sst s0;
	s0 =	simm.s32 @!p2 $0x0  }
0x16: {  	s3 =	sld [smem:$0x3FDB];
	s0 =	simm.s32 @p2 $0x1  }
0x17: {  	s4 =	simm.s32 $0x1BF5;
	[smem:$0x3FB0] =	sst s0  }
0x18: {  	s0 =	sld [smem:$0x3F93];
	_ =	swait.ge [sflag:s4], $0x0  }
0x19: {  	s7 =	sld [smem:$0x3F94]  }
0x1a: {  	s8 =	sadd.s32 $0xFFFFE003, lr  }
0x1b: {  	s9 =	sadd.s32 $0xFFFFFEF7, lr;
	s5 =	simm.s32 $0xFFFFFFFF;
	p2 =	slt.u32 s8, $0xFFFFF086  }
0x1c: {  	p1 =	slt.u32 s9, $0xF7A;
	s5 =	simm.s32 @!p2 $0x0  }
0x1d: {  	s5 =	simm.s32 @p1 $0x1;
	p0 =	seq.s32 s7, s2  }
0x1e: {  	s7 =	smul.u32 @!p0 $0xF7A, s2;
	p2 =	seq.s32 @!p0 s5, $0x0  }
0x1f: {  	s9 =	smul.u32 $0xF7A, s1;
	s8 =	simm.s32 @!p0 $0x1BF5;
	p2 =	por !p2, p0  }
0x20: {  	[sflag:s8] =	ssyncset.s32 @!p0 $0xFFFFF086;
	s6 =	sadd.s32 @!p0 s3, s7;
	s7 =	simm.s32 @!p0 $0x108  }
0x21: {  	s3 =	sadd.s32 s3, s9;
	s6 =	sadd.s32 @!p0 $0x88, s6;
	s7 =	simm.s32 @p2 $0x1082  }
0x22: {  	[simem:s7], [sflag:s8] =	dma.local @!p0 [hbm:s6], $0xF7A  }
0x23: {  	s9 =	sor.u32 $0xD0000000, s2;
	s6 =	simm.s32 $0x108;
	_ =	swait.ge @!p0 [sflag:s8], $0x0  }
0x24: {  	s3 =	sadd.s32 $0x88, s3;
	s6 =	simm.s32 @!p1 $0x1082;
	[sflag:s4] =	ssyncset.s32 $0xFFFFF086  }
0x25: {  	[simem:s6], [sflag:s4] =	dma.local [hbm:s3], $0xF7A  }
0x26: {  	[smem:$0x3F94] =	sst s1;
	(tag) =	ssettag s2;
	_ =	strace s9  }
0x27: {  	s1 =	sld [smem:$0x3FA4]  }
0x28: {  	s2 =	sld [smem:$0x3FA5]  }
0x29: {  	s4 =	sld [smem:$0x3FA7]  }
0x2a: {  	p0 =	seq.s32 s5, $0x0;
	s5 =	sld [smem:$0x3FA8]  }
0x2b: {  	s6 =	sld [smem:$0x3FA9]  }
0x2c: {  	s7 =	sld [smem:$0x3FAA]  }
0x2d: {  	s3 =	simm.s32 $0x108;
	s8 =	sld [smem:$0x3FAB]  }
0x2e: {  	s3 =	simm.s32 @!p0 $0x1082;
	s9 =	sld [smem:$0x3FAC]  }
0x2f: {  	lr =	sadd.s32 s0, s3;
	s0 =	sld [smem:$0x3FA3]  }
0x30: {  	s3 =	sld [smem:$0x3FA6]  }
0x31: {  	[smem:$0x3FAF] =	sst s10  }
0x32: {  	s10 =	sld [smem:$0x3FAD];
	_ =	sdelay $0x3  }
0x33: {  	p0 =	seq.s32 s10, $0x1;
	s10 =	sld [smem:$0x3FAF];
	_ =	sdelay $0x3  }
0x34: {  	[smem:$0x3FAF] =	sst s10  }
0x35: {  	s10 =	sld [smem:$0x3FAE];
	_ =	sdelay $0x3  }
0x36: {  	p1 =	seq.s32 s10, $0x1;
	s10 =	sld [smem:$0x3FAF];
	_ =	sdelay $0x3  }
0x37: {  	[smem:$0x3FAF] =	sst s10  }
0x38: {  	s10 =	sld [smem:$0x3FB0]  }
0x39: {  	_ = 	snop;
	(pc) =	sbr.ind lr, $3  }
0x3a: {  	_ = 	snop  }
0x3b: {  	_ = 	snop  }
0x3c: {  	p2 =	seq.s32 s10, $0x1;
	s10 =	sld [smem:$0x3FAF]  }
0x3d: {  	_ =	shalt  }
0x3e: {  	_ =	shalt  }
0x3f: {  	_ =	shalt  }
0x40: {  	_ =	shalt  }
0x41: {  	_ =	shalt  }
0x42: {  	_ =	shalt  }
0x43: {  	_ =	shalt  }
0x44: {  	_ =	shalt  }
0x45: {  	_ =	shalt  }
0x46: {  	_ =	shalt  }
0x47: {  	_ =	shalt  }
0x48: {  	_ =	shalt  }
0x49: {  	_ =	shalt  }
0x4a: {  	_ =	shalt  }
0x4b: {  	_ =	shalt  }
0x4c: {  	_ =	shalt  }
0x4d: {  	_ =	shalt  }
0x4e: {  	_ =	shalt  }
0x4f: {  	_ =	shalt  }
0x50: {  	_ =	shalt  }
0x51: {  	_ =	shalt  }
0x52: {  	_ =	shalt  }
0x53: {  	_ =	shalt  }
0x54: {  	_ =	shalt  }
0x55: {  	_ =	shalt  }
0x56: {  	_ =	shalt  }
0x57: {  	_ =	shalt  }
0x58: {  	_ =	shalt  }
0x59: {  	_ =	shalt  }
0x5a: {  	_ =	shalt  }
0x5b: {  	_ =	shalt  }
0x5c: {  	_ =	shalt  }
0x5d: {  	_ =	shalt  }
0x5e: {  	_ =	shalt  }
0x5f: {  	_ =	shalt  }
0x60: {  	_ =	shalt  }
0x61: {  	_ =	shalt  }
0x62: {  	_ =	shalt  }
0x63: {  	_ =	shalt  }
0x64: {  	_ =	shalt  }
0x65: {  	_ =	shalt  }
0x66: {  	_ =	shalt  }
0x67: {  	_ =	shalt  }
0x68: {  	_ =	shalt  }
0x69: {  	_ =	shalt  }
0x6a: {  	_ =	shalt  }
0x6b: {  	_ =	shalt  }
0x6c: {  	_ =	shalt  }
0x6d: {  	_ =	shalt  }
0x6e: {  	_ =	shalt  }
0x6f: {  	_ =	shalt  }
0x70: {  	_ =	shalt  }
0x71: {  	_ =	shalt  }
0x72: {  	_ =	shalt  }
0x73: {  	_ =	shalt  }
0x74: {  	_ =	shalt  }
0x75: {  	_ =	shalt  }
0x76: {  	_ =	shalt  }
0x77: {  	_ =	shalt  }
0x78: {  	_ =	shalt  }
0x79: {  	_ =	shalt  }
0x7a: {  	_ =	shalt  }
0x7b: {  	_ =	shalt  }
0x7c: {  	_ =	shalt  }
0x7d: {  	_ =	shalt  }
0x7e: {  	_ =	shalt  }
0x7f: {  	_ =	shalt  }
0x80: {  	_ =	shalt  }
0x81: {  	_ =	shalt  }
0x82: {  	_ =	shalt  }
0x83: {  	_ =	shalt  }
0x84: {  	_ =	shalt  }
0x85: {  	_ =	shalt  }
0x86: {  	_ =	shalt  }
0x87: {  	_ =	shalt  }
.Lfunc_end0:
.L_simem_size_0:
called_computation.3_lowered:
.L_overlay_start_0:
0x88: {  	s2 =	sld [smem:$0x3FD9]  }
0x89: {  	s3 =	sld [smem:$0x3FFE];
	_ =	sdelay $0x1  }
0x8a: {  	s1 =	srdreg.scid  }
0x8b: {  	s0 =	sand.u32 $0x1, s1  }
0x8c: {  	s16 =	sshll.u32 s0, $0xA;
	s2 =	sadd.s32 s3, s2  }
0x8d: {  	s2 =	sadd.s32 s2, s16  }
0x8e: {  	[smem:$0x3FBB] =	sst s2  }
0x8f: {  	_ = 	snop  }
0x90: {  	(tm) =	ssettm $0x1  }
0x91: {  	s17 =	sld [smem:$0x3FFB];
	_ =	sdelay $0x3  }
0x92: {  	_ =	strace s17  }
0x93: {  	s2 =	sld [smem:$0x3FFC];
	_ =	sdelay $0x3  }
0x94: {  	_ =	strace s2  }
0x95: {  	s2 =	sld [smem:$0x3FFD];
	_ =	sdelay $0x3  }
0x96: {  	_ =	strace s2  }
0x97: {  	_ =	strace $0x8FFFFFFF  }
0x98: {  	s18 =	sld [smem:$0x3FDB];
	_ =	sdelay $0x1  }
0x99: {  	s19 =	simm.s32 $_scs_section_size  }
0x9a: {  	s4 =	simm.s32 $_size__tile_overlayer_lowered;
	s5 =	simm.s32 $_tile_overlayer_lowered  }
0x9b: {  	s22 =	simm.s32 $0x1BFF;
	s21 =	sshll.u32 s5, $0x1;
	s2 =	sadd.s32 s19, s18  }
0x9c: {  	s6 =	simm.s32 $0x0;
	s20 =	sshll.u32 s4, $0x1;
	s4 =	sadd.s32 s21, s2  }
0x9d: {  	[timem:s6], [sflag:s22] =	dma.local [hbm:s4], s20  }
0x9e: {  	_ =	swait.ge [sflag:s22], s20  }
0x9f: {  	s3 =	ssub.s32 $0x0, s20;
	[sflag:s22] =	ssyncset.done $0x0  }
0xa0: {  	[sflag:s22] =	ssyncadd.s32 s3;
	_ =	sdelay $0x1  }
0xa1: {  	s23 =	simm.s32 $0x1B8B  }
0xa2: {  	_ =	swait.ge [sflag:s23], $0x1  }
0xa3: {  	[sflag:s23] =	ssyncset.done $0x0  }
0xa4: {  	s25 =	simm.s32 $0x1B8E;
	s24 =	sld [smem:$0x3FFE];
	[sflag:s23] =	ssyncadd.s32 $0xFFFFFFFF  }
0xa5: {  	s26 =	simm.s32 $execute0_lowered;
	[smem:$0x3FD2] =	sst s25  }
0xa6: {  	s4 =	sshll.u32 s26, $0x1;
	_ =	strace $0x8000004F;
	[dreg:$0x1] =	wrdreg $0xFFFFFFFF  }
0xa7: {  	s28 =	simm.s32 $_size_execute0_lowered;
	s2 =	sadd.s32 s2, s4;
	[dreg:$0x0] =	wrdreg $0x0  }
0xa8: {  	s4 =	sshll.u32 s28, $0x1;
	[dreg:$0x2] =	wrdreg s2  }
0xa9: {  	[dreg:$0x3] =	wrdreg s4  }
0xaa: {  	[dreg:$0x4] =	wrdreg $0xC0  }
0xab: {  	_ =	task [dreg:s6], $0x5FFFF  }
0xac: {  	[dreg:$0x1] =	wrdreg $0xFFFFFFFF  }
0xad: {  	[dreg:$0x0] =	wrdreg $0x60  }
0xae: {  	[dreg:$0x2] =	wrdreg s24  }
0xaf: {  	[dreg:$0x3] =	wrdreg $0xA8000  }
0xb0: {  	[dreg:$0x4] =	wrdreg $0x9  }
0xb1: {  	_ =	task.clear_ibuf [dreg:s6], $0x5FFFF;
	_ =	strace $0x9000004F  }
0xb2: {  	s29 =	simm.s32 $0x9;
	_ =	strace $0x80000051  }
0xb3: {  	_ =	swait.ge [sflag:s29], $0x1  }
0xb4: {  	[sflag:s29] =	ssyncadd.s32 $0xFFFFFFFF  }
0xb5: {  	_ =	strace $0x90000051  }
0xb6: {  	_ =	sfence  }
0xb7: {  	s30 =	sld [smem:$0x0];
	_ =	sdelay $0x2  }
0xb8: {  	s31 =	sshll.u32 s1, $0xD;
	s1 =	sshrl.u32 s1, $0x2  }
0xb9: {  	s3 =	sand.u32 $0x4000, s31;
	s1 =	sadd.s32 s1, s30  }
0xba: {  	s0 =	sor.u32 s3, s0;
	s1 =	sshll.u32 s1, $0x11  }
0xbb: {  	s0 =	sor.u32 s1, s0  }
0xbc: {  	s0 =	sadd.s32 $0x8F2B, s0  }
0xbd: {  	[sflag:s0] =	ssyncadd.remote.s32 $0x1  }
0xbe: {  	_ =	sfence.sel $0xFFFF  }
0xbf: {  	[dreg:$0x0] =	wrdreg $0xFFFFFFFF;
	(pc) =	sbr.abs _section_cstart, $3  }
0xc0: {  	[dreg:$0x1] =	wrdreg $0xFFFFFFFF  }
0xc1: {  	_ =	task.clear_ibuf [dreg:s6], $0x2FFFF;
	_ =	strace $0x9FFFFFFF  }
0xc2: {  	(tm) =	ssettm $0x7FFFFFFF  }
0xc3: {  	_ =	shalt  }
tec
execute0_lowered:
.L_overlay_start_1:
0x0: {  	(tag) =	ssettag $0x1  }
0x1: {  	s6 =	rddreg [dreg:$0x0]  }
0x2: {  	s1 =	rddreg [dreg:$0x1]  }
0x3: {  	s0 =	rddreg [dreg:$0x2]  }
0x4: {  	s3 =	simm.s32 $0x0;
	s2 =	srdreg.scid;
	s13 =	simm.s32 $0x4000  }
0x5: {  	s14 =	simm.s32 $0x50;
	s15 =	simm.s32 $0x8000;
	s16 =	simm.s32 $0x1  }
0x6: {  	s17 =	simm.s32 $0x0;
	[smem:$0x7FF] =	sst s3;
	s7 =	sand.u32 $0x1, s2  }
0x7: {  	s2 =	stileid.u32;
	s4 =	sadd.s32 $0x3E000, s6;
	s5 =	smul.u32 $0x140000, s7  }
0x8: {  	s8 =	sshll.u32 s2, $0xC;
	s9 =	sshll.u32 s7, $0xB;
	s10 =	smul.u32 $0x14000, s2  }
0x9: {  	_ =	strace $0x80000050;
	s29 =	smul.u32 $0x50000, s2;
	s7 =	ssub.s32 $0x2, s7  }
0xa: {  	s31 =	sshll.u32 s2, $0x6;
	s8 =	sor.u32 s9, s8;
	s30 =	sshrl.u32 s7, $0x1  }
0xb: {  	s8 =	sadd.s32 s8, s6;
	s28 =	sadd.s32 s10, s5;
	s5 =	sadd.s32 $0x14600, s6  }
0xc: {  	s10 =	sshrl.u32 s29, $0x2;
	s11 =	ssub.s32 s7, s30;
	s9 =	sshrl.u32 s28, $0x3  }
0xd: {  	s12 =	sadd.s32 s10, s1;
	s7 =	sadd.s32 $0x67400, s8;
	s8 =	sadd.s32 $0x4600, s8  }
0xe: {  	s10 =	smax.u32 s11, $0x1;
	s9 =	sadd.s32 s9, s6;
	s6 =	sor.u32 $0x1C02, s31  }
0xf: {  	s11 =	sshrl.u32 s12, $0x3;
	s12 =	simm.s32 $0x2;
	s9 =	sadd.s32 $0x77400, s9  }
.LBB2_1:
0x10: {  	[spmem:s11], [sflag:s6] =	dma.local [hbm:s5], $0x2800  }
0x11: {  	_ =	swait.ge [sflag:s12], $0x2800  }
0x12: {  	[sflag:s12] =	ssyncset.done $0x0  }
0x13: {  	[sflag:s12] =	ssyncadd.s32 $0xFFFFD800  }
0x14: {  	[tilespmem:s3], [sflag:$0x2] =	stream.linear.gather [hbm4b:s7+s3], $0x3E80, $0x38;
	[tilespmem:$0x1E800] =	vst v63  }
0x15: {  	_ =	swait.ge [sflag:s12], $0x3E80  }
0x16: {  	[sflag:s12] =	ssyncset.done $0x0  }
0x17: {  	[sflag:s12] =	ssyncadd.s32 $0xFFFFC180  }
0x18: {  	[tilespmem:s13], [sflag:$0x2] =	stream.linear.gather [hbm4b:s8+s3], $0x3E80, $0x38;
	[tilespmem:$0x1E800] =	vst v63  }
0x19: {  	_ =	swait.ge [sflag:s12], $0x3E80  }
0x1a: {  	[sflag:s12] =	ssyncset.done $0x0  }
0x1b: {  	[sflag:s12] =	ssyncadd.s32 $0xFFFFC180  }
0x1c: {  	s18 =	simm.s32 $0x0;
	[bflag:$0x0] =	sbarrier.arrive $0xFFFF  }
0x1d: {  	[tilespmem:s15], [sflag:$0x1] =	stream.indirect.gather [hbm4b:s4+s14], $0x80, s18, s14, $0xb8;
	[tilespmem:$0x1E800] =	vst v63  }
0x1e: {  	_ =	swait.ge [sflag:s16], $0x2800  }
0x1f: {  	[sflag:s16] =	ssyncset.done $0x0  }
0x20: {  	s31 =	simm.s32 $0x4000;
	[sflag:s16] =	ssyncadd.s32 $0xFFFFD800  }
0x21: {  	[spmem:s1] =	stream.indirect.scatter.add.f32 [tilespmem:s15], [sflag:$0x2], $0x80, s31, s14, $0xb8;
	[tilespmem:$0x1E800] =	vst v63  }
0x22: {  	_ =	swait.ge [sflag:s12], $0x2800  }
0x23: {  	s19 =	simm.s32 $0x400;
	s18 =	simm.s32 $0x200;
	[sflag:s12] =	ssyncset.done $0x0  }
.LBB2_2:
0x24: {  	s20 =	sshra.s32 s18, $0x2  }
0x25: {  	[sflag:s12] =	ssyncadd.s32 $0xFFFFD800;
	s18 =	smov.u32 s19;
	s21 =	sadd.s32 $0x200, s19  }
0x26: {  	[tilespmem:s15], [sflag:$0x1] =	stream.indirect.gather [hbm4b:s4+s14], $0x80, s20, s14, $0xb8;
	[tilespmem:$0x1E800] =	vst v63  }
0x27: {  	p0 =	sne.s32 s19, $0xF800;
	_ =	swait.ge [sflag:s16], $0x2800  }
.Ltmp0:
0x28: {  	[sflag:s16] =	ssyncset.done $0x0;
	(pc) =	sbr.rel @p0 .LBB2_2-.Ltmp0, $4  }
0x29: {  	s19 =	sadd.s32 $0x4000, s20;
	[sflag:s16] =	ssyncadd.s32 $0xFFFFD800  }
0x2a: {  	[spmem:s1] =	stream.indirect.scatter.add.f32 [tilespmem:s15], [sflag:$0x2], $0x80, s19, s14, $0xb8;
	[tilespmem:$0x1E800] =	vst v63  }
0x2b: {  	_ =	swait.ge [sflag:s12], $0x2800  }
0x2c: {  	s19 =	smov.u32 s21;
	[sflag:s12] =	ssyncset.done $0x0  }
0x2d: {  	s18 =	sshra.s32 s18, $0x2;
	[sflag:s12] =	ssyncadd.s32 $0xFFFFD800  }
0x2e: {  	[tilespmem:s15], [sflag:$0x1] =	stream.indirect.gather [hbm4b:s4+s14], $0x80, s18, s14, $0xb8;
	[tilespmem:$0x1E800] =	vst v63  }
0x2f: {  	_ =	swait.ge [sflag:s16], $0x2800  }
0x30: {  	[sflag:s16] =	ssyncset.done $0x0  }
0x31: {  	s18 =	sadd.s32 $0x4000, s18;
	[sflag:s16] =	ssyncadd.s32 $0xFFFFD800  }
0x32: {  	[spmem:s1] =	stream.indirect.scatter.add.f32 [tilespmem:s15], [sflag:$0x2], $0x80, s18, s14, $0xb8;
	[tilespmem:$0x1E800] =	vst v63  }
0x33: {  	_ =	swait.ge [sflag:s12], $0x2800  }
0x34: {  	s17 =	sadd.s32 $0x1, s17;
	[sflag:s12] =	ssyncset.done $0x0  }
0x35: {  	p0 =	sne.s32 s17, s10;
	[sflag:s12] =	ssyncadd.s32 $0xFFFFD800  }
.Ltmp1:
0x36: {  	[bflag:$0x0] =	sbarrier.arrive $0xFFFF;
	(pc) =	sbr.rel @p0 .LBB2_1-.Ltmp1, $4  }
0x37: {  	[hbm:s9], [sflag:s6] =	dma.local [spmem:s11], $0x2800  }
0x38: {  	_ =	swait.ge [sflag:s12], $0x2800  }
0x39: {  	[sflag:s12] =	ssyncset.done $0x0  }
0x3a: {  	[sflag:s12] =	ssyncadd.s32 $0xFFFFD800  }
0x3b: {  	_ =	sfence.sel $0x180000  }
0x3c: {  	[bflag:$0x0] =	sbarrier.arrive $0xFFFF  }
0x3d: {  	p0 =	sne.s32 s2, $0x0;
	_ =	strace $0x90000050  }
0x3e: {  	s0 =	sadd.s32 @!p0 $0x100000, s0;
	[bflag:$0x2] =	sbarrier.arrive $0xFFFF  }
0x3f: {  	[sflag:s0] =	ssyncadd.tile.s32 @!p0 $0x1;
	_ =	shalt  }
.Lfunc_end2:
_tile_overlayer_lowered:
.L_overlay_start_2:
0x40: {  	(tag) =	ssettag $0x2  }
0x41: {  	s0 =	rddreg [dreg:$0x0];
	s2 =	stileid.u32  }
0x42: {  	s1 =	rddreg [dreg:$0x1];
	p0 =	sne.s32 s2, $0x0  }
0x43: {  	s3 =	rddreg [dreg:$0x2];
	[bflag:$0x3] =	sbarrier.arrive $0xFFFF;
	s2 =	simm.s32 @!p0 $0x1C02  }
0x44: {  	[timem:s3], [sflag:s2] =	dma.local @!p0 [hbm:s0], s1  }
0x45: {  	s0 =	simm.s32 @!p0 $0x2  }
0x46: {  	_ =	swait.ge @!p0 [sflag:s0], s1  }
0x47: {  	s1 =	ssub.s32 @!p0 $0x0, s1;
	[sflag:s0] =	ssyncset.done @!p0 $0x0  }
0x48: {  	[sflag:s0] =	ssyncadd.s32 @!p0 s1  }
0x49: {  	[bflag:$0x3] =	sbarrier.arrive $0xFFFF  }
0x4a: {  	_ =	shalt  }

</sc_bundles>
